<compile_context>
chip_gen: v7x
topology: tpu7x:2x2x1
jax: 0.10.2.dev20260603
libtpu: 0.0.44.dev20260713+nightly
codegen_flags: <defaults>
</compile_context>

<pallas_src>
import jax
import jax.numpy as jnp
from jax import lax
from jax.experimental import pallas as pl
from jax.experimental.pallas import tpu as pltpu, tpu_sc as plsc

_B, _C, _N = 8, 32, 2048
_OUT, _SR, _K = 64, 2, 4
_TNK = 2048
_TNM = 2048
_KP = 8
_NC, _NS = 2, 16
_CH = 128


def _knn_body(xf_ref, xt_ref, idx_ref, tbl_ref):
    b = pl.program_id(0)
    t = pl.program_id(1)
    xf = xf_ref[0]
    xt = xt_ref[0]
    s = 2.0 * lax.dot_general(xt, xf, (((0,), (0,)), ((), ())),
                              preferred_element_type=jnp.float32)
    colf = lax.broadcasted_iota(jnp.int32, (_TNK, _N), 1).astype(jnp.float32)
    diag = (jnp.float32(t * _TNK) +
            lax.broadcasted_iota(jnp.int32, (_TNK, 1), 0).astype(jnp.float32))
    picks = [diag[:, 0]]
    s = jnp.where(colf == diag, -3.0e38,
                  s - jnp.sum(xf * xf, axis=0, keepdims=True))
    for r in range(_K - 1):
        m = jnp.max(s, axis=1, keepdims=True)
        ikf = jnp.min(jnp.where(s == m, colf, jnp.float32(_N)), axis=1)
        picks.append(ikf)
        if r < _K - 2:
            s = jnp.where(colf == ikf[:, None], -3.0e38, s)
    rows = jnp.stack(picks, axis=0).astype(jnp.int32) + b * _N
    idx_ref[0, 0:_K, :] = rows
    tbl_ref[...] = xt.T


def _knn_indices(x):
    grid = (_B, _N // _TNK)
    return pl.pallas_call(
        _knn_body,
        grid=grid,
        in_specs=[
            pl.BlockSpec((1, _C, _N), lambda b, t: (b, 0, 0)),
            pl.BlockSpec((1, _C, _TNK), lambda b, t: (b, 0, t)),
        ],
        out_specs=[
            pl.BlockSpec((1, _KP, _TNK), lambda b, t: (b, 0, t)),
            pl.BlockSpec((_TNK, _C),
                         lambda b, t: (b * (_N // _TNK) + t, 0)),
        ],
        out_shape=[
            jax.ShapeDtypeStruct((_B, _KP, _N), jnp.int32),
            jax.ShapeDtypeStruct((_B * _N, _C), jnp.float32),
        ],
    )(x, x)


def _gather_body(table_ref, idx_ref, out_ref, idx_v, rows_v, sem):
    wid = lax.axis_index("s") * _NC + lax.axis_index("c")
    b = wid // (_K - 1)
    k = wid % (_K - 1) + 1

    @pl.when(wid < _B * (_K - 1))
    def _():
        pltpu.sync_copy(idx_ref.at[b, k], idx_v)
        copies = []
        for j in range(_N // _CH):
            copies.append(pltpu.async_copy(
                table_ref.at[idx_v.at[j]],
                rows_v.at[pl.ds(j * _CH, _CH)],
                sem,
            ))
        for c in copies:
            c.wait()
        pltpu.sync_copy(rows_v, out_ref.at[pl.ds(wid * _N, _N)])


def _gather_feat(table, idx4):
    mesh = plsc.VectorSubcoreMesh(core_axis_name="c", subcore_axis_name="s")
    return pl.kernel(
        _gather_body,
        out_type=jax.ShapeDtypeStruct((_B * (_K - 1) * _N, _C),
                                      jnp.float32),
        mesh=mesh,
        scratch_types=[
            pltpu.VMEM((_N // _CH, _CH), jnp.int32),
            pltpu.VMEM((_N, _C), jnp.float32),
            pltpu.SemaphoreType.DMA,
        ],
        compiler_params=pltpu.CompilerParams(use_tc_tiling_on_sc=False),
    )(table, idx4)


def _mlp_body(x_ref, f_ref, w1_ref, b1_ref, w2_ref, b2_ref, w3d_ref, b3d_ref,
              o_ref):
    xt = x_ref[...]
    f = f_ref[0]
    xr = jnp.broadcast_to(xt[None], (_K, _TNM, _C))
    nb = jnp.concatenate([xt[None], f], axis=0)
    ia = jnp.concatenate([xr, nb], axis=2).reshape(_K * _TNM, 2 * _C)
    cd = (((1,), (1,)), ((), ()))
    e1 = lax.dot_general(ia, w1_ref[...], cd,
                         preferred_element_type=jnp.float32) + b1_ref[...]
    h = jnp.maximum(jnp.concatenate([e1, ia], axis=1), 0.0)
    e2 = lax.dot_general(h, w2_ref[...], cd,
                         preferred_element_type=jnp.float32) + b2_ref[...]
    e2 = jnp.maximum(e2, 0.0)
    g = lax.dot_general(e2, w3d_ref[...], cd,
                        preferred_element_type=jnp.float32) + b3d_ref[...]
    m2 = jnp.maximum(
        jnp.maximum(g[0 * _TNM:1 * _TNM], g[1 * _TNM:2 * _TNM]),
        jnp.maximum(g[2 * _TNM:3 * _TNM], g[3 * _TNM:4 * _TNM]))
    mi = jnp.concatenate([m2[:, None, :_OUT], m2[:, None, _OUT:]],
                         axis=1).reshape(_SR * _TNM, _OUT)
    o_ref[0] = mi.T


def _mlp(xt_all, feat, W1, b1, W2, b2, W3, b3):
    w3d = jnp.zeros((_SR * _OUT, _SR * _OUT), W3.dtype)
    w3d = w3d.at[:_OUT, :_OUT].set(W3).at[_OUT:, _OUT:].set(W3)
    b3d = jnp.concatenate([b3, b3]).reshape(1, -1)
    grid = (_B, _N // _TNM)
    return pl.pallas_call(
        _mlp_body,
        grid=grid,
        in_specs=[
            pl.BlockSpec((_TNM, _C),
                         lambda b, t: (b * (_N // _TNM) + t, 0)),
            pl.BlockSpec((1, _K - 1, _TNM, _C),
                         lambda b, t: (b, 0, t, 0)),
            pl.BlockSpec(W1.shape, lambda b, t: (0, 0)),
            pl.BlockSpec((1, _OUT), lambda b, t: (0, 0)),
            pl.BlockSpec(W2.shape, lambda b, t: (0, 0)),
            pl.BlockSpec((1, _OUT * _SR), lambda b, t: (0, 0)),
            pl.BlockSpec((_SR * _OUT, _SR * _OUT), lambda b, t: (0, 0)),
            pl.BlockSpec((1, _SR * _OUT), lambda b, t: (0, 0)),
        ],
        out_specs=pl.BlockSpec((1, _OUT, _SR * _TNM), lambda b, t: (b, 0, t)),
        out_shape=jax.ShapeDtypeStruct((_B, _OUT, _SR * _N), jnp.float32),
    )(xt_all, feat, W1, b1.reshape(1, -1), W2, b2.reshape(1, -1), w3d, b3d)


def kernel(x, W1, b1, W2, b2, W3, b3):
    idx, table = _knn_indices(x)
    idx4 = idx.reshape(_B, _KP, _N // _CH, _CH)
    feat = _gather_feat(table, idx4).reshape(_B, _K - 1, _N, _C)
    return _mlp(table, feat, W1, b1, W2, b2, W3, b3)

# --- scband reference (transcript-rebuilt; emitter-appended) ---
"""Pipeline reference for scband-ef-expansion-18107582120608 (READ-ONLY COPY).

The authoritative reference and input builder live on the scoring server;
editing this copy changes nothing except your own understanding.
"""

import jax, jax.numpy as jnp
import numpy as np

B, C, N = 8, 32, 2048
OUT, SR, K = 64, 2, 4

def setup_inputs(seed: int = 0) -> dict:
    key = jax.random.key(seed)
    ks = jax.random.split(key, 8)
    x = jax.random.normal(ks[0], (B, C, N), dtype=jnp.float32)
    W1 = jax.random.normal(ks[1], (OUT, 2 * C), dtype=jnp.float32) * (1.0 / np.sqrt(2 * C))
    b1 = jnp.zeros((OUT,), dtype=jnp.float32)
    W2 = jax.random.normal(ks[2], (OUT * SR, 2 * C + OUT), dtype=jnp.float32) * (1.0 / np.sqrt(2 * C + OUT))
    b2 = jnp.zeros((OUT * SR,), dtype=jnp.float32)
    W3 = jax.random.normal(ks[3], (OUT, OUT), dtype=jnp.float32) * (1.0 / np.sqrt(OUT))
    b3 = jnp.zeros((OUT,), dtype=jnp.float32)
    return {"x": x, "W1": W1, "b1": b1, "W2": W2, "b2": b2, "W3": W3, "b3": b3}

def _knn(x, k):
    # x: [B, C, N]
    inner = -2.0 * jnp.einsum('bcn,bcm->bnm', x, x)
    xx = jnp.sum(x ** 2, axis=1, keepdims=True)  # [B, 1, N]
    pairwise = -xx - inner - jnp.transpose(xx, (0, 2, 1))  # [B, N, N]
    _, idx = jax.lax.top_k(pairwise, k)  # [B, N, k]
    return idx

def _get_graph_feature(x, k):
    # minus_center=False variant
    idx = _knn(x, k)                      # [B, N, k]
    xt = jnp.transpose(x, (0, 2, 1))      # [B, N, C]
    feature = jax.vmap(lambda xb, ib: xb[ib])(xt, idx)  # [B, N, k, C] gather
    x_exp = jnp.broadcast_to(xt[:, :, None, :], feature.shape)
    feat = jnp.concatenate([x_exp, feature], axis=3)    # [B, N, k, 2C]
    return jnp.transpose(feat, (0, 3, 1, 2))            # [B, 2C, N, k]

def _conv1x1(x, W, b):
    return jnp.einsum('oc,bckn->bokn', W, x) + b[None, :, None, None]

def reference(x, W1, b1, W2, b2, W3, b3):
    b_sz, c, n = x.shape
    ief = jnp.transpose(_get_graph_feature(x, K), (0, 1, 3, 2))  # [B, 2C, k, N]
    e = _conv1x1(ief, W1, b1)
    e = jax.nn.relu(jnp.concatenate([e, ief], axis=1))
    e = jax.nn.relu(_conv1x1(e, W2, b2))                          # [B, OUT*SR, k, N]
    e = jnp.transpose(e, (0, 2, 3, 1)).reshape(b_sz, K, n * SR, OUT)
    e = jnp.transpose(e, (0, 3, 1, 2))                            # [B, OUT, k, N*SR]
    e = _conv1x1(e, W3, b3)
    return jnp.max(e, axis=2)                                     # [B, OUT, N*SR]

if __name__ == "__main__":
    import jax
    _d = setup_inputs()
    print(jax.jit(kernel)(*tuple(_d.values())))

</pallas_src>

<mosaic_0001>
#map = affine_map<(d0, d1) -> (0, 0)>
#map1 = affine_map<(d0, d1) -> (0, 0, 0, 0)>
module attributes {stable_mosaic.version = 14 : i64} {
  func.func @_gather_body(%arg0: i32, %arg1: i32, %arg2: memref<16384x32xf32, #tpu.memory_space<hbm>>, %arg3: memref<8x8x16x128xi32, #tpu.memory_space<hbm>>, %arg4: memref<49152x32xf32, #tpu.memory_space<hbm>>, %arg5: memref<16x128xi32, #tpu.memory_space<vmem>>, %arg6: memref<2048x32xf32, #tpu.memory_space<vmem>>, %arg7: memref<!tpu.dma_semaphore, #tpu.memory_space<semaphore_mem>>) attributes {dimension_semantics = [#tpu.dimension_semantics<core_parallel>, #tpu.dimension_semantics<subcore_parallel>], iteration_bounds = array<i64: 2, 16>, scalar_prefetch = 0 : i64, scratch_operands = 3 : i64, tpu.core_type = #tpu.core_type<sc_vector_subcore>, window_params = [{transform_indices = #map}, {transform_indices = #map1}, {transform_indices = #map}]} {
    %mul3A = arith.constant 2 : i32
    %mul3A_0 = arith.muli %arg1, %mul3A : i32
    %add3A = arith.addi %mul3A_0, %arg0 : i32
    %jit3A = arith.constant 3 : i32
    %div3A = arith.divsi %add3A, %jit3A : i32
    %sign3A = arith.constant 0 : i32
    %sign3A_1 = arith.cmpi sgt, %add3A, %sign3A : i32
    %sign3A_2 = arith.extui %sign3A_1 : i1 to i32
    %sign3A_3 = arith.constant 0 : i32
    %sign3A_4 = arith.cmpi slt, %add3A, %sign3A_3 : i32
    %sign3A_5 = arith.extui %sign3A_4 : i1 to i32
    %sign3A_6 = arith.subi %sign3A_2, %sign3A_5 : i32
    %sign3A_7 = arith.constant 0 : i32
    %sign3A_8 = arith.cmpi sgt, %jit3A, %sign3A_7 : i32
    %sign3A_9 = arith.extui %sign3A_8 : i1 to i32
    %sign3A_10 = arith.constant 0 : i32
    %sign3A_11 = arith.cmpi slt, %jit3A, %sign3A_10 : i32
    %sign3A_12 = arith.extui %sign3A_11 : i1 to i32
    %sign3A_13 = arith.subi %sign3A_9, %sign3A_12 : i32
    %ne3A = arith.cmpi ne, %sign3A_6, %sign3A_13 : i32
    %rem3A = arith.remsi %add3A, %jit3A : i32
    %ne3A_14 = arith.constant 0 : i32
    %ne3A_15 = arith.cmpi ne, %rem3A, %ne3A_14 : i32
    %and3A = arith.andi %ne3A, %ne3A_15 : i1
    %sub3A = arith.constant 1 : i32
    %sub3A_16 = arith.subi %div3A, %sub3A : i32
    %select_n3A = arith.select %and3A, %sub3A_16, %div3A : i32
    %jit3A_17 = arith.constant 3 : i32
    %eq3A = arith.constant 0 : i32
    %eq3A_18 = arith.cmpi eq, %jit3A_17, %eq3A : i32
    %jit3A_19 = arith.constant 1 : i32
    %select_n3A_20 = arith.select %eq3A_18, %jit3A_19, %jit3A_17 : i32
    %rem3A_21 = arith.remsi %add3A, %select_n3A_20 : i32
    %ne3A_22 = arith.constant 0 : i32
    %ne3A_23 = arith.cmpi ne, %rem3A_21, %ne3A_22 : i32
    %lt3A = arith.constant 0 : i32
    %lt3A_24 = arith.cmpi slt, %rem3A_21, %lt3A : i32
    %lt3A_25 = arith.constant 0 : i32
    %lt3A_26 = arith.cmpi slt, %select_n3A_20, %lt3A_25 : i32
    %ne3A_27 = arith.xori %lt3A_24, %lt3A_26 : i1
    %and3A_28 = arith.andi %ne3A_27, %ne3A_23 : i1
    %add3A_29 = arith.addi %rem3A_21, %select_n3A_20 : i32
    %select_n3A_30 = arith.select %and3A_28, %add3A_29, %rem3A_21 : i32
    %add3A_31 = arith.constant 1 : i32
    %add3A_32 = arith.addi %select_n3A_30, %add3A_31 : i32
    %lt3A_33 = arith.constant 24 : i32
    %lt3A_34 = arith.cmpi slt, %add3A, %lt3A_33 : i32
    %convert_element_type3A = arith.extui %lt3A_34 : i1 to i32
    %cond3A = arith.constant 0 : i32
    %cond3A_35 = arith.cmpi ne, %convert_element_type3A, %cond3A : i32
    scf.if %cond3A_35 {
      "tpu.region"() ({
        %run_scoped3A = tpu.sem_alloc : memref<!tpu.dma_semaphore, #tpu.memory_space<semaphore_mem>>
        %dma_start3A_356 = arith.constant 0 : i32
        %dma_start3A_357 = arith.constant 0 : i32
        %dma_start3A_358 = tpu.memref_slice %arg3[%select_n3A, %add3A_32, %dma_start3A_356, %dma_start3A_357] : memref<8x8x16x128xi32, #tpu.memory_space<hbm>> -> memref<1x1x16x128xi32, #tpu.memory_space<hbm>>
        %dma_start3A_359 = tpu.memref_squeeze %dma_start3A_358 : memref<1x1x16x128xi32, #tpu.memory_space<hbm>> -> memref<16x128xi32, #tpu.memory_space<hbm>>
        %dma_start3A_360 = arith.constant 0 : i32
        %dma_start3A_361 = arith.constant 0 : i32
        %dma_start3A_362 = tpu.memref_slice %arg3[%select_n3A, %add3A_32, %dma_start3A_360, %dma_start3A_361] : memref<8x8x16x128xi32, #tpu.memory_space<hbm>> -> memref<1x1x16x128xi32, #tpu.memory_space<hbm>>
        %dma_start3A_363 = tpu.memref_squeeze %dma_start3A_362 : memref<1x1x16x128xi32, #tpu.memory_space<hbm>> -> memref<16x128xi32, #tpu.memory_space<hbm>>
        tpu.enqueue_dma source(%dma_start3A_363 : memref<16x128xi32, #tpu.memory_space<hbm>>) target(%arg5 : memref<16x128xi32, #tpu.memory_space<vmem>>) target_semaphore(%run_scoped3A : memref<!tpu.dma_semaphore, #tpu.memory_space<semaphore_mem>>)
        %dma_wait3A_364 = arith.constant 0 : i32
        %dma_wait3A_365 = arith.constant 0 : i32
        %dma_wait3A_366 = tpu.memref_slice %arg3[%select_n3A, %add3A_32, %dma_wait3A_364, %dma_wait3A_365] : memref<8x8x16x128xi32, #tpu.memory_space<hbm>> -> memref<1x1x16x128xi32, #tpu.memory_space<hbm>>
        %dma_wait3A_367 = tpu.memref_squeeze %dma_wait3A_366 : memref<1x1x16x128xi32, #tpu.memory_space<hbm>> -> memref<16x128xi32, #tpu.memory_space<hbm>>
        %dma_wait3A_368 = arith.constant 0 : i32
        %dma_wait3A_369 = arith.constant 0 : i32
        %dma_wait3A_370 = tpu.memref_slice %arg3[%select_n3A, %add3A_32, %dma_wait3A_368, %dma_wait3A_369] : memref<8x8x16x128xi32, #tpu.memory_space<hbm>> -> memref<1x1x16x128xi32, #tpu.memory_space<hbm>>
        %dma_wait3A_371 = tpu.memref_squeeze %dma_wait3A_370 : memref<1x1x16x128xi32, #tpu.memory_space<hbm>> -> memref<16x128xi32, #tpu.memory_space<hbm>>
        tpu.wait_dma2 semaphore(%run_scoped3A : memref<!tpu.dma_semaphore, #tpu.memory_space<semaphore_mem>>) src(%dma_wait3A_371 : memref<16x128xi32, #tpu.memory_space<hbm>>) dst(%arg5 : memref<16x128xi32, #tpu.memory_space<vmem>>)
        tpu.yield
      }) : () -> ()
      %dma_start3A = arith.constant 0 : i32
      %dma_start3A_36 = arith.constant 0 : i32
      %dma_start3A_37 = arith.constant 0 : i32
      %dma_start3A_38 = tpu.memref_slice %arg6[%dma_start3A_36, %dma_start3A_37] : memref<2048x32xf32, #tpu.memory_space<vmem>> -> memref<128x32xf32, #tpu.memory_space<vmem>>
      %dma_start3A_39 = arith.constant 0 : i32
      %dma_start3A_40 = tpu.memref_slice %arg5[%dma_start3A, %dma_start3A_39] : memref<16x128xi32, #tpu.memory_space<vmem>> -> memref<1x128xi32, #tpu.memory_space<vmem>>
      %dma_start3A_41 = tpu.memref_squeeze %dma_start3A_40 : memref<1x128xi32, #tpu.memory_space<vmem>> -> memref<128xi32, #tpu.memory_space<vmem>>
      %dma_start3A_42 = arith.constant 0 : i32
      %dma_start3A_43 = arith.constant 0 : i32
      %dma_start3A_44 = tpu.memref_slice %arg2[%dma_start3A_42, %dma_start3A_43] : memref<16384x32xf32, #tpu.memory_space<hbm>> -> memref<16384x32xf32, #tpu.memory_space<hbm>>
      tpu.enqueue_indirect_dma source(%dma_start3A_44 : memref<16384x32xf32, #tpu.memory_space<hbm>>) target(%dma_start3A_38 : memref<128x32xf32, #tpu.memory_space<vmem>>) offsets(%dma_start3A_41 : memref<128xi32, #tpu.memory_space<vmem>>) semaphore(%arg7 : memref<!tpu.dma_semaphore, #tpu.memory_space<semaphore_mem>>)
      %dma_start3A_45 = arith.constant 1 : i32
      %dma_start3A_46 = arith.constant 128 : i32
      %dma_start3A_47 = arith.constant 0 : i32
      %dma_start3A_48 = tpu.memref_slice %arg6[%dma_start3A_46, %dma_start3A_47] : memref<2048x32xf32, #tpu.memory_space<vmem>> -> memref<128x32xf32, #tpu.memory_space<vmem>>
      %dma_start3A_49 = arith.constant 0 : i32
      %dma_start3A_50 = tpu.memref_slice %arg5[%dma_start3A_45, %dma_start3A_49] : memref<16x128xi32, #tpu.memory_space<vmem>> -> memref<1x128xi32, #tpu.memory_space<vmem>>
      %dma_start3A_51 = tpu.memref_squeeze %dma_start3A_50 : memref<1x128xi32, #tpu.memory_space<vmem>> -> memref<128xi32, #tpu.memory_space<vmem>>
      %dma_start3A_52 = arith.constant 0 : i32
      %dma_start3A_53 = arith.constant 0 : i32
      %dma_start3A_54 = tpu.memref_slice %arg2[%dma_start3A_52, %dma_start3A_53] : memref<16384x32xf32, #tpu.memory_space<hbm>> -> memref<16384x32xf32, #tpu.memory_space<hbm>>
      tpu.enqueue_indirect_dma source(%dma_start3A_54 : memref<16384x32xf32, #tpu.memory_space<hbm>>) target(%dma_start3A_48 : memref<128x32xf32, #tpu.memory_space<vmem>>) offsets(%dma_start3A_51 : memref<128xi32, #tpu.memory_space<vmem>>) semaphore(%arg7 : memref<!tpu.dma_semaphore, #tpu.memory_space<semaphore_mem>>)
      %dma_start3A_55 = arith.constant 2 : i32
      %dma_start3A_56 = arith.constant 256 : i32
      %dma_start3A_57 = arith.constant 0 : i32
      %dma_start3A_58 = tpu.memref_slice %arg6[%dma_start3A_56, %dma_start3A_57] : memref<2048x32xf32, #tpu.memory_space<vmem>> -> memref<128x32xf32, #tpu.memory_space<vmem>>
      %dma_start3A_59 = arith.constant 0 : i32
      %dma_start3A_60 = tpu.memref_slice %arg5[%dma_start3A_55, %dma_start3A_59] : memref<16x128xi32, #tpu.memory_space<vmem>> -> memref<1x128xi32, #tpu.memory_space<vmem>>
      %dma_start3A_61 = tpu.memref_squeeze %dma_start3A_60 : memref<1x128xi32, #tpu.memory_space<vmem>> -> memref<128xi32, #tpu.memory_space<vmem>>
      %dma_start3A_62 = arith.constant 0 : i32
      %dma_start3A_63 = arith.constant 0 : i32
      %dma_start3A_64 = tpu.memref_slice %arg2[%dma_start3A_62, %dma_start3A_63] : memref<16384x32xf32, #tpu.memory_space<hbm>> -> memref<16384x32xf32, #tpu.memory_space<hbm>>
      tpu.enqueue_indirect_dma source(%dma_start3A_64 : memref<16384x32xf32, #tpu.memory_space<hbm>>) target(%dma_start3A_58 : memref<128x32xf32, #tpu.memory_space<vmem>>) offsets(%dma_start3A_61 : memref<128xi32, #tpu.memory_space<vmem>>) semaphore(%arg7 : memref<!tpu.dma_semaphore, #tpu.memory_space<semaphore_mem>>)
      %dma_start3A_65 = arith.constant 3 : i32
      %dma_start3A_66 = arith.constant 384 : i32
      %dma_start3A_67 = arith.constant 0 : i32
      %dma_start3A_68 = tpu.memref_slice %arg6[%dma_start3A_66, %dma_start3A_67] : memref<2048x32xf32, #tpu.memory_space<vmem>> -> memref<128x32xf32, #tpu.memory_space<vmem>>
      %dma_start3A_69 = arith.constant 0 : i32
      %dma_start3A_70 = tpu.memref_slice %arg5[%dma_start3A_65, %dma_start3A_69] : memref<16x128xi32, #tpu.memory_space<vmem>> -> memref<1x128xi32, #tpu.memory_space<vmem>>
      %dma_start3A_71 = tpu.memref_squeeze %dma_start3A_70 : memref<1x128xi32, #tpu.memory_space<vmem>> -> memref<128xi32, #tpu.memory_space<vmem>>
      %dma_start3A_72 = arith.constant 0 : i32
      %dma_start3A_73 = arith.constant 0 : i32
      %dma_start3A_74 = tpu.memref_slice %arg2[%dma_start3A_72, %dma_start3A_73] : memref<16384x32xf32, #tpu.memory_space<hbm>> -> memref<16384x32xf32, #tpu.memory_space<hbm>>
      tpu.enqueue_indirect_dma source(%dma_start3A_74 : memref<16384x32xf32, #tpu.memory_space<hbm>>) target(%dma_start3A_68 : memref<128x32xf32, #tpu.memory_space<vmem>>) offsets(%dma_start3A_71 : memref<128xi32, #tpu.memory_space<vmem>>) semaphore(%arg7 : memref<!tpu.dma_semaphore, #tpu.memory_space<semaphore_mem>>)
      %dma_start3A_75 = arith.constant 4 : i32
      %dma_start3A_76 = arith.constant 512 : i32
      %dma_start3A_77 = arith.constant 0 : i32
      %dma_start3A_78 = tpu.memref_slice %arg6[%dma_start3A_76, %dma_start3A_77] : memref<2048x32xf32, #tpu.memory_space<vmem>> -> memref<128x32xf32, #tpu.memory_space<vmem>>
      %dma_start3A_79 = arith.constant 0 : i32
      %dma_start3A_80 = tpu.memref_slice %arg5[%dma_start3A_75, %dma_start3A_79] : memref<16x128xi32, #tpu.memory_space<vmem>> -> memref<1x128xi32, #tpu.memory_space<vmem>>
      %dma_start3A_81 = tpu.memref_squeeze %dma_start3A_80 : memref<1x128xi32, #tpu.memory_space<vmem>> -> memref<128xi32, #tpu.memory_space<vmem>>
      %dma_start3A_82 = arith.constant 0 : i32
      %dma_start3A_83 = arith.constant 0 : i32
      %dma_start3A_84 = tpu.memref_slice %arg2[%dma_start3A_82, %dma_start3A_83] : memref<16384x32xf32, #tpu.memory_space<hbm>> -> memref<16384x32xf32, #tpu.memory_space<hbm>>
      tpu.enqueue_indirect_dma source(%dma_start3A_84 : memref<16384x32xf32, #tpu.memory_space<hbm>>) target(%dma_start3A_78 : memref<128x32xf32, #tpu.memory_space<vmem>>) offsets(%dma_start3A_81 : memref<128xi32, #tpu.memory_space<vmem>>) semaphore(%arg7 : memref<!tpu.dma_semaphore, #tpu.memory_space<semaphore_mem>>)
      %dma_start3A_85 = arith.constant 5 : i32
      %dma_start3A_86 = arith.constant 640 : i32
      %dma_start3A_87 = arith.constant 0 : i32
      %dma_start3A_88 = tpu.memref_slice %arg6[%dma_start3A_86, %dma_start3A_87] : memref<2048x32xf32, #tpu.memory_space<vmem>> -> memref<128x32xf32, #tpu.memory_space<vmem>>
      %dma_start3A_89 = arith.constant 0 : i32
      %dma_start3A_90 = tpu.memref_slice %arg5[%dma_start3A_85, %dma_start3A_89] : memref<16x128xi32, #tpu.memory_space<vmem>> -> memref<1x128xi32, #tpu.memory_space<vmem>>
      %dma_start3A_91 = tpu.memref_squeeze %dma_start3A_90 : memref<1x128xi32, #tpu.memory_space<vmem>> -> memref<128xi32, #tpu.memory_space<vmem>>
      %dma_start3A_92 = arith.constant 0 : i32
      %dma_start3A_93 = arith.constant 0 : i32
      %dma_start3A_94 = tpu.memref_slice %arg2[%dma_start3A_92, %dma_start3A_93] : memref<16384x32xf32, #tpu.memory_space<hbm>> -> memref<16384x32xf32, #tpu.memory_space<hbm>>
      tpu.enqueue_indirect_dma source(%dma_start3A_94 : memref<16384x32xf32, #tpu.memory_space<hbm>>) target(%dma_start3A_88 : memref<128x32xf32, #tpu.memory_space<vmem>>) offsets(%dma_start3A_91 : memref<128xi32, #tpu.memory_space<vmem>>) semaphore(%arg7 : memref<!tpu.dma_semaphore, #tpu.memory_space<semaphore_mem>>)
      %dma_start3A_95 = arith.constant 6 : i32
      %dma_start3A_96 = arith.constant 768 : i32
      %dma_start3A_97 = arith.constant 0 : i32
      %dma_start3A_98 = tpu.memref_slice %arg6[%dma_start3A_96, %dma_start3A_97] : memref<2048x32xf32, #tpu.memory_space<vmem>> -> memref<128x32xf32, #tpu.memory_space<vmem>>
      %dma_start3A_99 = arith.constant 0 : i32
      %dma_start3A_100 = tpu.memref_slice %arg5[%dma_start3A_95, %dma_start3A_99] : memref<16x128xi32, #tpu.memory_space<vmem>> -> memref<1x128xi32, #tpu.memory_space<vmem>>
      %dma_start3A_101 = tpu.memref_squeeze %dma_start3A_100 : memref<1x128xi32, #tpu.memory_space<vmem>> -> memref<128xi32, #tpu.memory_space<vmem>>
      %dma_start3A_102 = arith.constant 0 : i32
      %dma_start3A_103 = arith.constant 0 : i32
      %dma_start3A_104 = tpu.memref_slice %arg2[%dma_start3A_102, %dma_start3A_103] : memref<16384x32xf32, #tpu.memory_space<hbm>> -> memref<16384x32xf32, #tpu.memory_space<hbm>>
      tpu.enqueue_indirect_dma source(%dma_start3A_104 : memref<16384x32xf32, #tpu.memory_space<hbm>>) target(%dma_start3A_98 : memref<128x32xf32, #tpu.memory_space<vmem>>) offsets(%dma_start3A_101 : memref<128xi32, #tpu.memory_space<vmem>>) semaphore(%arg7 : memref<!tpu.dma_semaphore, #tpu.memory_space<semaphore_mem>>)
      %dma_start3A_105 = arith.constant 7 : i32
      %dma_start3A_106 = arith.constant 896 : i32
      %dma_start3A_107 = arith.constant 0 : i32
      %dma_start3A_108 = tpu.memref_slice %arg6[%dma_start3A_106, %dma_start3A_107] : memref<2048x32xf32, #tpu.memory_space<vmem>> -> memref<128x32xf32, #tpu.memory_space<vmem>>
      %dma_start3A_109 = arith.constant 0 : i32
      %dma_start3A_110 = tpu.memref_slice %arg5[%dma_start3A_105, %dma_start3A_109] : memref<16x128xi32, #tpu.memory_space<vmem>> -> memref<1x128xi32, #tpu.memory_space<vmem>>
      %dma_start3A_111 = tpu.memref_squeeze %dma_start3A_110 : memref<1x128xi32, #tpu.memory_space<vmem>> -> memref<128xi32, #tpu.memory_space<vmem>>
      %dma_start3A_112 = arith.constant 0 : i32
      %dma_start3A_113 = arith.constant 0 : i32
      %dma_start3A_114 = tpu.memref_slice %arg2[%dma_start3A_112, %dma_start3A_113] : memref<16384x32xf32, #tpu.memory_space<hbm>> -> memref<16384x32xf32, #tpu.memory_space<hbm>>
      tpu.enqueue_indirect_dma source(%dma_start3A_114 : memref<16384x32xf32, #tpu.memory_space<hbm>>) target(%dma_start3A_108 : memref<128x32xf32, #tpu.memory_space<vmem>>) offsets(%dma_start3A_111 : memref<128xi32, #tpu.memory_space<vmem>>) semaphore(%arg7 : memref<!tpu.dma_semaphore, #tpu.memory_space<semaphore_mem>>)
      %dma_start3A_115 = arith.constant 8 : i32
      %dma_start3A_116 = arith.constant 1024 : i32
      %dma_start3A_117 = arith.constant 0 : i32
      %dma_start3A_118 = tpu.memref_slice %arg6[%dma_start3A_116, %dma_start3A_117] : memref<2048x32xf32, #tpu.memory_space<vmem>> -> memref<128x32xf32, #tpu.memory_space<vmem>>
      %dma_start3A_119 = arith.constant 0 : i32
      %dma_start3A_120 = tpu.memref_slice %arg5[%dma_start3A_115, %dma_start3A_119] : memref<16x128xi32, #tpu.memory_space<vmem>> -> memref<1x128xi32, #tpu.memory_space<vmem>>
      %dma_start3A_121 = tpu.memref_squeeze %dma_start3A_120 : memref<1x128xi32, #tpu.memory_space<vmem>> -> memref<128xi32, #tpu.memory_space<vmem>>
      %dma_start3A_122 = arith.constant 0 : i32
      %dma_start3A_123 = arith.constant 0 : i32
      %dma_start3A_124 = tpu.memref_slice %arg2[%dma_start3A_122, %dma_start3A_123] : memref<16384x32xf32, #tpu.memory_space<hbm>> -> memref<16384x32xf32, #tpu.memory_space<hbm>>
      tpu.enqueue_indirect_dma source(%dma_start3A_124 : memref<16384x32xf32, #tpu.memory_space<hbm>>) target(%dma_start3A_118 : memref<128x32xf32, #tpu.memory_space<vmem>>) offsets(%dma_start3A_121 : memref<128xi32, #tpu.memory_space<vmem>>) semaphore(%arg7 : memref<!tpu.dma_semaphore, #tpu.memory_space<semaphore_mem>>)
      %dma_start3A_125 = arith.constant 9 : i32
      %dma_start3A_126 = arith.constant 1152 : i32
      %dma_start3A_127 = arith.constant 0 : i32
      %dma_start3A_128 = tpu.memref_slice %arg6[%dma_start3A_126, %dma_start3A_127] : memref<2048x32xf32, #tpu.memory_space<vmem>> -> memref<128x32xf32, #tpu.memory_space<vmem>>
      %dma_start3A_129 = arith.constant 0 : i32
      %dma_start3A_130 = tpu.memref_slice %arg5[%dma_start3A_125, %dma_start3A_129] : memref<16x128xi32, #tpu.memory_space<vmem>> -> memref<1x128xi32, #tpu.memory_space<vmem>>
      %dma_start3A_131 = tpu.memref_squeeze %dma_start3A_130 : memref<1x128xi32, #tpu.memory_space<vmem>> -> memref<128xi32, #tpu.memory_space<vmem>>
      %dma_start3A_132 = arith.constant 0 : i32
      %dma_start3A_133 = arith.constant 0 : i32
      %dma_start3A_134 = tpu.memref_slice %arg2[%dma_start3A_132, %dma_start3A_133] : memref<16384x32xf32, #tpu.memory_space<hbm>> -> memref<16384x32xf32, #tpu.memory_space<hbm>>
      tpu.enqueue_indirect_dma source(%dma_start3A_134 : memref<16384x32xf32, #tpu.memory_space<hbm>>) target(%dma_start3A_128 : memref<128x32xf32, #tpu.memory_space<vmem>>) offsets(%dma_start3A_131 : memref<128xi32, #tpu.memory_space<vmem>>) semaphore(%arg7 : memref<!tpu.dma_semaphore, #tpu.memory_space<semaphore_mem>>)
      %dma_start3A_135 = arith.constant 10 : i32
      %dma_start3A_136 = arith.constant 1280 : i32
      %dma_start3A_137 = arith.constant 0 : i32
      %dma_start3A_138 = tpu.memref_slice %arg6[%dma_start3A_136, %dma_start3A_137] : memref<2048x32xf32, #tpu.memory_space<vmem>> -> memref<128x32xf32, #tpu.memory_space<vmem>>
      %dma_start3A_139 = arith.constant 0 : i32
      %dma_start3A_140 = tpu.memref_slice %arg5[%dma_start3A_135, %dma_start3A_139] : memref<16x128xi32, #tpu.memory_space<vmem>> -> memref<1x128xi32, #tpu.memory_space<vmem>>
      %dma_start3A_141 = tpu.memref_squeeze %dma_start3A_140 : memref<1x128xi32, #tpu.memory_space<vmem>> -> memref<128xi32, #tpu.memory_space<vmem>>
      %dma_start3A_142 = arith.constant 0 : i32
      %dma_start3A_143 = arith.constant 0 : i32
      %dma_start3A_144 = tpu.memref_slice %arg2[%dma_start3A_142, %dma_start3A_143] : memref<16384x32xf32, #tpu.memory_space<hbm>> -> memref<16384x32xf32, #tpu.memory_space<hbm>>
      tpu.enqueue_indirect_dma source(%dma_start3A_144 : memref<16384x32xf32, #tpu.memory_space<hbm>>) target(%dma_start3A_138 : memref<128x32xf32, #tpu.memory_space<vmem>>) offsets(%dma_start3A_141 : memref<128xi32, #tpu.memory_space<vmem>>) semaphore(%arg7 : memref<!tpu.dma_semaphore, #tpu.memory_space<semaphore_mem>>)
      %dma_start3A_145 = arith.constant 11 : i32
      %dma_start3A_146 = arith.constant 1408 : i32
      %dma_start3A_147 = arith.constant 0 : i32
      %dma_start3A_148 = tpu.memref_slice %arg6[%dma_start3A_146, %dma_start3A_147] : memref<2048x32xf32, #tpu.memory_space<vmem>> -> memref<128x32xf32, #tpu.memory_space<vmem>>
      %dma_start3A_149 = arith.constant 0 : i32
      %dma_start3A_150 = tpu.memref_slice %arg5[%dma_start3A_145, %dma_start3A_149] : memref<16x128xi32, #tpu.memory_space<vmem>> -> memref<1x128xi32, #tpu.memory_space<vmem>>
      %dma_start3A_151 = tpu.memref_squeeze %dma_start3A_150 : memref<1x128xi32, #tpu.memory_space<vmem>> -> memref<128xi32, #tpu.memory_space<vmem>>
      %dma_start3A_152 = arith.constant 0 : i32
      %dma_start3A_153 = arith.constant 0 : i32
      %dma_start3A_154 = tpu.memref_slice %arg2[%dma_start3A_152, %dma_start3A_153] : memref<16384x32xf32, #tpu.memory_space<hbm>> -> memref<16384x32xf32, #tpu.memory_space<hbm>>
      tpu.enqueue_indirect_dma source(%dma_start3A_154 : memref<16384x32xf32, #tpu.memory_space<hbm>>) target(%dma_start3A_148 : memref<128x32xf32, #tpu.memory_space<vmem>>) offsets(%dma_start3A_151 : memref<128xi32, #tpu.memory_space<vmem>>) semaphore(%arg7 : memref<!tpu.dma_semaphore, #tpu.memory_space<semaphore_mem>>)
      %dma_start3A_155 = arith.constant 12 : i32
      %dma_start3A_156 = arith.constant 1536 : i32
      %dma_start3A_157 = arith.constant 0 : i32
      %dma_start3A_158 = tpu.memref_slice %arg6[%dma_start3A_156, %dma_start3A_157] : memref<2048x32xf32, #tpu.memory_space<vmem>> -> memref<128x32xf32, #tpu.memory_space<vmem>>
      %dma_start3A_159 = arith.constant 0 : i32
      %dma_start3A_160 = tpu.memref_slice %arg5[%dma_start3A_155, %dma_start3A_159] : memref<16x128xi32, #tpu.memory_space<vmem>> -> memref<1x128xi32, #tpu.memory_space<vmem>>
      %dma_start3A_161 = tpu.memref_squeeze %dma_start3A_160 : memref<1x128xi32, #tpu.memory_space<vmem>> -> memref<128xi32, #tpu.memory_space<vmem>>
      %dma_start3A_162 = arith.constant 0 : i32
      %dma_start3A_163 = arith.constant 0 : i32
      %dma_start3A_164 = tpu.memref_slice %arg2[%dma_start3A_162, %dma_start3A_163] : memref<16384x32xf32, #tpu.memory_space<hbm>> -> memref<16384x32xf32, #tpu.memory_space<hbm>>
      tpu.enqueue_indirect_dma source(%dma_start3A_164 : memref<16384x32xf32, #tpu.memory_space<hbm>>) target(%dma_start3A_158 : memref<128x32xf32, #tpu.memory_space<vmem>>) offsets(%dma_start3A_161 : memref<128xi32, #tpu.memory_space<vmem>>) semaphore(%arg7 : memref<!tpu.dma_semaphore, #tpu.memory_space<semaphore_mem>>)
      %dma_start3A_165 = arith.constant 13 : i32
      %dma_start3A_166 = arith.constant 1664 : i32
      %dma_start3A_167 = arith.constant 0 : i32
      %dma_start3A_168 = tpu.memref_slice %arg6[%dma_start3A_166, %dma_start3A_167] : memref<2048x32xf32, #tpu.memory_space<vmem>> -> memref<128x32xf32, #tpu.memory_space<vmem>>
      %dma_start3A_169 = arith.constant 0 : i32
      %dma_start3A_170 = tpu.memref_slice %arg5[%dma_start3A_165, %dma_start3A_169] : memref<16x128xi32, #tpu.memory_space<vmem>> -> memref<1x128xi32, #tpu.memory_space<vmem>>
      %dma_start3A_171 = tpu.memref_squeeze %dma_start3A_170 : memref<1x128xi32, #tpu.memory_space<vmem>> -> memref<128xi32, #tpu.memory_space<vmem>>
      %dma_start3A_172 = arith.constant 0 : i32
      %dma_start3A_173 = arith.constant 0 : i32
      %dma_start3A_174 = tpu.memref_slice %arg2[%dma_start3A_172, %dma_start3A_173] : memref<16384x32xf32, #tpu.memory_space<hbm>> -> memref<16384x32xf32, #tpu.memory_space<hbm>>
      tpu.enqueue_indirect_dma source(%dma_start3A_174 : memref<16384x32xf32, #tpu.memory_space<hbm>>) target(%dma_start3A_168 : memref<128x32xf32, #tpu.memory_space<vmem>>) offsets(%dma_start3A_171 : memref<128xi32, #tpu.memory_space<vmem>>) semaphore(%arg7 : memref<!tpu.dma_semaphore, #tpu.memory_space<semaphore_mem>>)
      %dma_start3A_175 = arith.constant 14 : i32
      %dma_start3A_176 = arith.constant 1792 : i32
      %dma_start3A_177 = arith.constant 0 : i32
      %dma_start3A_178 = tpu.memref_slice %arg6[%dma_start3A_176, %dma_start3A_177] : memref<2048x32xf32, #tpu.memory_space<vmem>> -> memref<128x32xf32, #tpu.memory_space<vmem>>
      %dma_start3A_179 = arith.constant 0 : i32
      %dma_start3A_180 = tpu.memref_slice %arg5[%dma_start3A_175, %dma_start3A_179] : memref<16x128xi32, #tpu.memory_space<vmem>> -> memref<1x128xi32, #tpu.memory_space<vmem>>
      %dma_start3A_181 = tpu.memref_squeeze %dma_start3A_180 : memref<1x128xi32, #tpu.memory_space<vmem>> -> memref<128xi32, #tpu.memory_space<vmem>>
      %dma_start3A_182 = arith.constant 0 : i32
      %dma_start3A_183 = arith.constant 0 : i32
      %dma_start3A_184 = tpu.memref_slice %arg2[%dma_start3A_182, %dma_start3A_183] : memref<16384x32xf32, #tpu.memory_space<hbm>> -> memref<16384x32xf32, #tpu.memory_space<hbm>>
      tpu.enqueue_indirect_dma source(%dma_start3A_184 : memref<16384x32xf32, #tpu.memory_space<hbm>>) target(%dma_start3A_178 : memref<128x32xf32, #tpu.memory_space<vmem>>) offsets(%dma_start3A_181 : memref<128xi32, #tpu.memory_space<vmem>>) semaphore(%arg7 : memref<!tpu.dma_semaphore, #tpu.memory_space<semaphore_mem>>)
      %dma_start3A_185 = arith.constant 15 : i32
      %dma_start3A_186 = arith.constant 1920 : i32
      %dma_start3A_187 = arith.constant 0 : i32
      %dma_start3A_188 = tpu.memref_slice %arg6[%dma_start3A_186, %dma_start3A_187] : memref<2048x32xf32, #tpu.memory_space<vmem>> -> memref<128x32xf32, #tpu.memory_space<vmem>>
      %dma_start3A_189 = arith.constant 0 : i32
      %dma_start3A_190 = tpu.memref_slice %arg5[%dma_start3A_185, %dma_start3A_189] : memref<16x128xi32, #tpu.memory_space<vmem>> -> memref<1x128xi32, #tpu.memory_space<vmem>>
      %dma_start3A_191 = tpu.memref_squeeze %dma_start3A_190 : memref<1x128xi32, #tpu.memory_space<vmem>> -> memref<128xi32, #tpu.memory_space<vmem>>
      %dma_start3A_192 = arith.constant 0 : i32
      %dma_start3A_193 = arith.constant 0 : i32
      %dma_start3A_194 = tpu.memref_slice %arg2[%dma_start3A_192, %dma_start3A_193] : memref<16384x32xf32, #tpu.memory_space<hbm>> -> memref<16384x32xf32, #tpu.memory_space<hbm>>
      tpu.enqueue_indirect_dma source(%dma_start3A_194 : memref<16384x32xf32, #tpu.memory_space<hbm>>) target(%dma_start3A_188 : memref<128x32xf32, #tpu.memory_space<vmem>>) offsets(%dma_start3A_191 : memref<128xi32, #tpu.memory_space<vmem>>) semaphore(%arg7 : memref<!tpu.dma_semaphore, #tpu.memory_space<semaphore_mem>>)
      %dma_wait3A = arith.constant 0 : i32
      %dma_wait3A_195 = arith.constant 0 : i32
      %dma_wait3A_196 = arith.constant 0 : i32
      %dma_wait3A_197 = tpu.memref_slice %arg6[%dma_wait3A_195, %dma_wait3A_196] : memref<2048x32xf32, #tpu.memory_space<vmem>> -> memref<128x32xf32, #tpu.memory_space<vmem>>
      %dma_wait3A_198 = arith.constant 0 : i32
      %dma_wait3A_199 = tpu.memref_slice %arg5[%dma_wait3A, %dma_wait3A_198] : memref<16x128xi32, #tpu.memory_space<vmem>> -> memref<1x128xi32, #tpu.memory_space<vmem>>
      %dma_wait3A_200 = tpu.memref_squeeze %dma_wait3A_199 : memref<1x128xi32, #tpu.memory_space<vmem>> -> memref<128xi32, #tpu.memory_space<vmem>>
      %dma_wait3A_201 = arith.constant 0 : i32
      %dma_wait3A_202 = arith.constant 0 : i32
      %dma_wait3A_203 = tpu.memref_slice %arg2[%dma_wait3A_201, %dma_wait3A_202] : memref<16384x32xf32, #tpu.memory_space<hbm>> -> memref<16384x32xf32, #tpu.memory_space<hbm>>
      tpu.wait_indirect_dma semaphore(%arg7 : memref<!tpu.dma_semaphore, #tpu.memory_space<semaphore_mem>>) src(%dma_wait3A_203 : memref<16384x32xf32, #tpu.memory_space<hbm>>) dst(%dma_wait3A_197 : memref<128x32xf32, #tpu.memory_space<vmem>>)
      %dma_wait3A_204 = arith.constant 1 : i32
      %dma_wait3A_205 = arith.constant 128 : i32
      %dma_wait3A_206 = arith.constant 0 : i32
      %dma_wait3A_207 = tpu.memref_slice %arg6[%dma_wait3A_205, %dma_wait3A_206] : memref<2048x32xf32, #tpu.memory_space<vmem>> -> memref<128x32xf32, #tpu.memory_space<vmem>>
      %dma_wait3A_208 = arith.constant 0 : i32
      %dma_wait3A_209 = tpu.memref_slice %arg5[%dma_wait3A_204, %dma_wait3A_208] : memref<16x128xi32, #tpu.memory_space<vmem>> -> memref<1x128xi32, #tpu.memory_space<vmem>>
      %dma_wait3A_210 = tpu.memref_squeeze %dma_wait3A_209 : memref<1x128xi32, #tpu.memory_space<vmem>> -> memref<128xi32, #tpu.memory_space<vmem>>
      %dma_wait3A_211 = arith.constant 0 : i32
      %dma_wait3A_212 = arith.constant 0 : i32
      %dma_wait3A_213 = tpu.memref_slice %arg2[%dma_wait3A_211, %dma_wait3A_212] : memref<16384x32xf32, #tpu.memory_space<hbm>> -> memref<16384x32xf32, #tpu.memory_space<hbm>>
      tpu.wait_indirect_dma semaphore(%arg7 : memref<!tpu.dma_semaphore, #tpu.memory_space<semaphore_mem>>) src(%dma_wait3A_213 : memref<16384x32xf32, #tpu.memory_space<hbm>>) dst(%dma_wait3A_207 : memref<128x32xf32, #tpu.memory_space<vmem>>)
      %dma_wait3A_214 = arith.constant 2 : i32
      %dma_wait3A_215 = arith.constant 256 : i32
      %dma_wait3A_216 = arith.constant 0 : i32
      %dma_wait3A_217 = tpu.memref_slice %arg6[%dma_wait3A_215, %dma_wait3A_216] : memref<2048x32xf32, #tpu.memory_space<vmem>> -> memref<128x32xf32, #tpu.memory_space<vmem>>
      %dma_wait3A_218 = arith.constant 0 : i32
      %dma_wait3A_219 = tpu.memref_slice %arg5[%dma_wait3A_214, %dma_wait3A_218] : memref<16x128xi32, #tpu.memory_space<vmem>> -> memref<1x128xi32, #tpu.memory_space<vmem>>
      %dma_wait3A_220 = tpu.memref_squeeze %dma_wait3A_219 : memref<1x128xi32, #tpu.memory_space<vmem>> -> memref<128xi32, #tpu.memory_space<vmem>>
      %dma_wait3A_221 = arith.constant 0 : i32
      %dma_wait3A_222 = arith.constant 0 : i32
      %dma_wait3A_223 = tpu.memref_slice %arg2[%dma_wait3A_221, %dma_wait3A_222] : memref<16384x32xf32, #tpu.memory_space<hbm>> -> memref<16384x32xf32, #tpu.memory_space<hbm>>
      tpu.wait_indirect_dma semaphore(%arg7 : memref<!tpu.dma_semaphore, #tpu.memory_space<semaphore_mem>>) src(%dma_wait3A_223 : memref<16384x32xf32, #tpu.memory_space<hbm>>) dst(%dma_wait3A_217 : memref<128x32xf32, #tpu.memory_space<vmem>>)
      %dma_wait3A_224 = arith.constant 3 : i32
      %dma_wait3A_225 = arith.constant 384 : i32
      %dma_wait3A_226 = arith.constant 0 : i32
      %dma_wait3A_227 = tpu.memref_slice %arg6[%dma_wait3A_225, %dma_wait3A_226] : memref<2048x32xf32, #tpu.memory_space<vmem>> -> memref<128x32xf32, #tpu.memory_space<vmem>>
      %dma_wait3A_228 = arith.constant 0 : i32
      %dma_wait3A_229 = tpu.memref_slice %arg5[%dma_wait3A_224, %dma_wait3A_228] : memref<16x128xi32, #tpu.memory_space<vmem>> -> memref<1x128xi32, #tpu.memory_space<vmem>>
      %dma_wait3A_230 = tpu.memref_squeeze %dma_wait3A_229 : memref<1x128xi32, #tpu.memory_space<vmem>> -> memref<128xi32, #tpu.memory_space<vmem>>
      %dma_wait3A_231 = arith.constant 0 : i32
      %dma_wait3A_232 = arith.constant 0 : i32
      %dma_wait3A_233 = tpu.memref_slice %arg2[%dma_wait3A_231, %dma_wait3A_232] : memref<16384x32xf32, #tpu.memory_space<hbm>> -> memref<16384x32xf32, #tpu.memory_space<hbm>>
      tpu.wait_indirect_dma semaphore(%arg7 : memref<!tpu.dma_semaphore, #tpu.memory_space<semaphore_mem>>) src(%dma_wait3A_233 : memref<16384x32xf32, #tpu.memory_space<hbm>>) dst(%dma_wait3A_227 : memref<128x32xf32, #tpu.memory_space<vmem>>)
      %dma_wait3A_234 = arith.constant 4 : i32
      %dma_wait3A_235 = arith.constant 512 : i32
      %dma_wait3A_236 = arith.constant 0 : i32
      %dma_wait3A_237 = tpu.memref_slice %arg6[%dma_wait3A_235, %dma_wait3A_236] : memref<2048x32xf32, #tpu.memory_space<vmem>> -> memref<128x32xf32, #tpu.memory_space<vmem>>
      %dma_wait3A_238 = arith.constant 0 : i32
      %dma_wait3A_239 = tpu.memref_slice %arg5[%dma_wait3A_234, %dma_wait3A_238] : memref<16x128xi32, #tpu.memory_space<vmem>> -> memref<1x128xi32, #tpu.memory_space<vmem>>
      %dma_wait3A_240 = tpu.memref_squeeze %dma_wait3A_239 : memref<1x128xi32, #tpu.memory_space<vmem>> -> memref<128xi32, #tpu.memory_space<vmem>>
      %dma_wait3A_241 = arith.constant 0 : i32
      %dma_wait3A_242 = arith.constant 0 : i32
      %dma_wait3A_243 = tpu.memref_slice %arg2[%dma_wait3A_241, %dma_wait3A_242] : memref<16384x32xf32, #tpu.memory_space<hbm>> -> memref<16384x32xf32, #tpu.memory_space<hbm>>
      tpu.wait_indirect_dma semaphore(%arg7 : memref<!tpu.dma_semaphore, #tpu.memory_space<semaphore_mem>>) src(%dma_wait3A_243 : memref<16384x32xf32, #tpu.memory_space<hbm>>) dst(%dma_wait3A_237 : memref<128x32xf32, #tpu.memory_space<vmem>>)
      %dma_wait3A_244 = arith.constant 5 : i32
      %dma_wait3A_245 = arith.constant 640 : i32
      %dma_wait3A_246 = arith.constant 0 : i32
      %dma_wait3A_247 = tpu.memref_slice %arg6[%dma_wait3A_245, %dma_wait3A_246] : memref<2048x32xf32, #tpu.memory_space<vmem>> -> memref<128x32xf32, #tpu.memory_space<vmem>>
      %dma_wait3A_248 = arith.constant 0 : i32
      %dma_wait3A_249 = tpu.memref_slice %arg5[%dma_wait3A_244, %dma_wait3A_248] : memref<16x128xi32, #tpu.memory_space<vmem>> -> memref<1x128xi32, #tpu.memory_space<vmem>>
      %dma_wait3A_250 = tpu.memref_squeeze %dma_wait3A_249 : memref<1x128xi32, #tpu.memory_space<vmem>> -> memref<128xi32, #tpu.memory_space<vmem>>
      %dma_wait3A_251 = arith.constant 0 : i32
      %dma_wait3A_252 = arith.constant 0 : i32
      %dma_wait3A_253 = tpu.memref_slice %arg2[%dma_wait3A_251, %dma_wait3A_252] : memref<16384x32xf32, #tpu.memory_space<hbm>> -> memref<16384x32xf32, #tpu.memory_space<hbm>>
      tpu.wait_indirect_dma semaphore(%arg7 : memref<!tpu.dma_semaphore, #tpu.memory_space<semaphore_mem>>) src(%dma_wait3A_253 : memref<16384x32xf32, #tpu.memory_space<hbm>>) dst(%dma_wait3A_247 : memref<128x32xf32, #tpu.memory_space<vmem>>)
      %dma_wait3A_254 = arith.constant 6 : i32
      %dma_wait3A_255 = arith.constant 768 : i32
      %dma_wait3A_256 = arith.constant 0 : i32
      %dma_wait3A_257 = tpu.memref_slice %arg6[%dma_wait3A_255, %dma_wait3A_256] : memref<2048x32xf32, #tpu.memory_space<vmem>> -> memref<128x32xf32, #tpu.memory_space<vmem>>
      %dma_wait3A_258 = arith.constant 0 : i32
      %dma_wait3A_259 = tpu.memref_slice %arg5[%dma_wait3A_254, %dma_wait3A_258] : memref<16x128xi32, #tpu.memory_space<vmem>> -> memref<1x128xi32, #tpu.memory_space<vmem>>
      %dma_wait3A_260 = tpu.memref_squeeze %dma_wait3A_259 : memref<1x128xi32, #tpu.memory_space<vmem>> -> memref<128xi32, #tpu.memory_space<vmem>>
      %dma_wait3A_261 = arith.constant 0 : i32
      %dma_wait3A_262 = arith.constant 0 : i32
      %dma_wait3A_263 = tpu.memref_slice %arg2[%dma_wait3A_261, %dma_wait3A_262] : memref<16384x32xf32, #tpu.memory_space<hbm>> -> memref<16384x32xf32, #tpu.memory_space<hbm>>
      tpu.wait_indirect_dma semaphore(%arg7 : memref<!tpu.dma_semaphore, #tpu.memory_space<semaphore_mem>>) src(%dma_wait3A_263 : memref<16384x32xf32, #tpu.memory_space<hbm>>) dst(%dma_wait3A_257 : memref<128x32xf32, #tpu.memory_space<vmem>>)
      %dma_wait3A_264 = arith.constant 7 : i32
      %dma_wait3A_265 = arith.constant 896 : i32
      %dma_wait3A_266 = arith.constant 0 : i32
      %dma_wait3A_267 = tpu.memref_slice %arg6[%dma_wait3A_265, %dma_wait3A_266] : memref<2048x32xf32, #tpu.memory_space<vmem>> -> memref<128x32xf32, #tpu.memory_space<vmem>>
      %dma_wait3A_268 = arith.constant 0 : i32
      %dma_wait3A_269 = tpu.memref_slice %arg5[%dma_wait3A_264, %dma_wait3A_268] : memref<16x128xi32, #tpu.memory_space<vmem>> -> memref<1x128xi32, #tpu.memory_space<vmem>>
      %dma_wait3A_270 = tpu.memref_squeeze %dma_wait3A_269 : memref<1x128xi32, #tpu.memory_space<vmem>> -> memref<128xi32, #tpu.memory_space<vmem>>
      %dma_wait3A_271 = arith.constant 0 : i32
      %dma_wait3A_272 = arith.constant 0 : i32
      %dma_wait3A_273 = tpu.memref_slice %arg2[%dma_wait3A_271, %dma_wait3A_272] : memref<16384x32xf32, #tpu.memory_space<hbm>> -> memref<16384x32xf32, #tpu.memory_space<hbm>>
      tpu.wait_indirect_dma semaphore(%arg7 : memref<!tpu.dma_semaphore, #tpu.memory_space<semaphore_mem>>) src(%dma_wait3A_273 : memref<16384x32xf32, #tpu.memory_space<hbm>>) dst(%dma_wait3A_267 : memref<128x32xf32, #tpu.memory_space<vmem>>)
      %dma_wait3A_274 = arith.constant 8 : i32
      %dma_wait3A_275 = arith.constant 1024 : i32
      %dma_wait3A_276 = arith.constant 0 : i32
      %dma_wait3A_277 = tpu.memref_slice %arg6[%dma_wait3A_275, %dma_wait3A_276] : memref<2048x32xf32, #tpu.memory_space<vmem>> -> memref<128x32xf32, #tpu.memory_space<vmem>>
      %dma_wait3A_278 = arith.constant 0 : i32
      %dma_wait3A_279 = tpu.memref_slice %arg5[%dma_wait3A_274, %dma_wait3A_278] : memref<16x128xi32, #tpu.memory_space<vmem>> -> memref<1x128xi32, #tpu.memory_space<vmem>>
      %dma_wait3A_280 = tpu.memref_squeeze %dma_wait3A_279 : memref<1x128xi32, #tpu.memory_space<vmem>> -> memref<128xi32, #tpu.memory_space<vmem>>
      %dma_wait3A_281 = arith.constant 0 : i32
      %dma_wait3A_282 = arith.constant 0 : i32
      %dma_wait3A_283 = tpu.memref_slice %arg2[%dma_wait3A_281, %dma_wait3A_282] : memref<16384x32xf32, #tpu.memory_space<hbm>> -> memref<16384x32xf32, #tpu.memory_space<hbm>>
      tpu.wait_indirect_dma semaphore(%arg7 : memref<!tpu.dma_semaphore, #tpu.memory_space<semaphore_mem>>) src(%dma_wait3A_283 : memref<16384x32xf32, #tpu.memory_space<hbm>>) dst(%dma_wait3A_277 : memref<128x32xf32, #tpu.memory_space<vmem>>)
      %dma_wait3A_284 = arith.constant 9 : i32
      %dma_wait3A_285 = arith.constant 1152 : i32
      %dma_wait3A_286 = arith.constant 0 : i32
      %dma_wait3A_287 = tpu.memref_slice %arg6[%dma_wait3A_285, %dma_wait3A_286] : memref<2048x32xf32, #tpu.memory_space<vmem>> -> memref<128x32xf32, #tpu.memory_space<vmem>>
      %dma_wait3A_288 = arith.constant 0 : i32
      %dma_wait3A_289 = tpu.memref_slice %arg5[%dma_wait3A_284, %dma_wait3A_288] : memref<16x128xi32, #tpu.memory_space<vmem>> -> memref<1x128xi32, #tpu.memory_space<vmem>>
      %dma_wait3A_290 = tpu.memref_squeeze %dma_wait3A_289 : memref<1x128xi32, #tpu.memory_space<vmem>> -> memref<128xi32, #tpu.memory_space<vmem>>
      %dma_wait3A_291 = arith.constant 0 : i32
      %dma_wait3A_292 = arith.constant 0 : i32
      %dma_wait3A_293 = tpu.memref_slice %arg2[%dma_wait3A_291, %dma_wait3A_292] : memref<16384x32xf32, #tpu.memory_space<hbm>> -> memref<16384x32xf32, #tpu.memory_space<hbm>>
      tpu.wait_indirect_dma semaphore(%arg7 : memref<!tpu.dma_semaphore, #tpu.memory_space<semaphore_mem>>) src(%dma_wait3A_293 : memref<16384x32xf32, #tpu.memory_space<hbm>>) dst(%dma_wait3A_287 : memref<128x32xf32, #tpu.memory_space<vmem>>)
      %dma_wait3A_294 = arith.constant 10 : i32
      %dma_wait3A_295 = arith.constant 1280 : i32
      %dma_wait3A_296 = arith.constant 0 : i32
      %dma_wait3A_297 = tpu.memref_slice %arg6[%dma_wait3A_295, %dma_wait3A_296] : memref<2048x32xf32, #tpu.memory_space<vmem>> -> memref<128x32xf32, #tpu.memory_space<vmem>>
      %dma_wait3A_298 = arith.constant 0 : i32
      %dma_wait3A_299 = tpu.memref_slice %arg5[%dma_wait3A_294, %dma_wait3A_298] : memref<16x128xi32, #tpu.memory_space<vmem>> -> memref<1x128xi32, #tpu.memory_space<vmem>>
      %dma_wait3A_300 = tpu.memref_squeeze %dma_wait3A_299 : memref<1x128xi32, #tpu.memory_space<vmem>> -> memref<128xi32, #tpu.memory_space<vmem>>
      %dma_wait3A_301 = arith.constant 0 : i32
      %dma_wait3A_302 = arith.constant 0 : i32
      %dma_wait3A_303 = tpu.memref_slice %arg2[%dma_wait3A_301, %dma_wait3A_302] : memref<16384x32xf32, #tpu.memory_space<hbm>> -> memref<16384x32xf32, #tpu.memory_space<hbm>>
      tpu.wait_indirect_dma semaphore(%arg7 : memref<!tpu.dma_semaphore, #tpu.memory_space<semaphore_mem>>) src(%dma_wait3A_303 : memref<16384x32xf32, #tpu.memory_space<hbm>>) dst(%dma_wait3A_297 : memref<128x32xf32, #tpu.memory_space<vmem>>)
      %dma_wait3A_304 = arith.constant 11 : i32
      %dma_wait3A_305 = arith.constant 1408 : i32
      %dma_wait3A_306 = arith.constant 0 : i32
      %dma_wait3A_307 = tpu.memref_slice %arg6[%dma_wait3A_305, %dma_wait3A_306] : memref<2048x32xf32, #tpu.memory_space<vmem>> -> memref<128x32xf32, #tpu.memory_space<vmem>>
      %dma_wait3A_308 = arith.constant 0 : i32
      %dma_wait3A_309 = tpu.memref_slice %arg5[%dma_wait3A_304, %dma_wait3A_308] : memref<16x128xi32, #tpu.memory_space<vmem>> -> memref<1x128xi32, #tpu.memory_space<vmem>>
      %dma_wait3A_310 = tpu.memref_squeeze %dma_wait3A_309 : memref<1x128xi32, #tpu.memory_space<vmem>> -> memref<128xi32, #tpu.memory_space<vmem>>
      %dma_wait3A_311 = arith.constant 0 : i32
      %dma_wait3A_312 = arith.constant 0 : i32
      %dma_wait3A_313 = tpu.memref_slice %arg2[%dma_wait3A_311, %dma_wait3A_312] : memref<16384x32xf32, #tpu.memory_space<hbm>> -> memref<16384x32xf32, #tpu.memory_space<hbm>>
      tpu.wait_indirect_dma semaphore(%arg7 : memref<!tpu.dma_semaphore, #tpu.memory_space<semaphore_mem>>) src(%dma_wait3A_313 : memref<16384x32xf32, #tpu.memory_space<hbm>>) dst(%dma_wait3A_307 : memref<128x32xf32, #tpu.memory_space<vmem>>)
      %dma_wait3A_314 = arith.constant 12 : i32
      %dma_wait3A_315 = arith.constant 1536 : i32
      %dma_wait3A_316 = arith.constant 0 : i32
      %dma_wait3A_317 = tpu.memref_slice %arg6[%dma_wait3A_315, %dma_wait3A_316] : memref<2048x32xf32, #tpu.memory_space<vmem>> -> memref<128x32xf32, #tpu.memory_space<vmem>>
      %dma_wait3A_318 = arith.constant 0 : i32
      %dma_wait3A_319 = tpu.memref_slice %arg5[%dma_wait3A_314, %dma_wait3A_318] : memref<16x128xi32, #tpu.memory_space<vmem>> -> memref<1x128xi32, #tpu.memory_space<vmem>>
      %dma_wait3A_320 = tpu.memref_squeeze %dma_wait3A_319 : memref<1x128xi32, #tpu.memory_space<vmem>> -> memref<128xi32, #tpu.memory_space<vmem>>
      %dma_wait3A_321 = arith.constant 0 : i32
      %dma_wait3A_322 = arith.constant 0 : i32
      %dma_wait3A_323 = tpu.memref_slice %arg2[%dma_wait3A_321, %dma_wait3A_322] : memref<16384x32xf32, #tpu.memory_space<hbm>> -> memref<16384x32xf32, #tpu.memory_space<hbm>>
      tpu.wait_indirect_dma semaphore(%arg7 : memref<!tpu.dma_semaphore, #tpu.memory_space<semaphore_mem>>) src(%dma_wait3A_323 : memref<16384x32xf32, #tpu.memory_space<hbm>>) dst(%dma_wait3A_317 : memref<128x32xf32, #tpu.memory_space<vmem>>)
      %dma_wait3A_324 = arith.constant 13 : i32
      %dma_wait3A_325 = arith.constant 1664 : i32
      %dma_wait3A_326 = arith.constant 0 : i32
      %dma_wait3A_327 = tpu.memref_slice %arg6[%dma_wait3A_325, %dma_wait3A_326] : memref<2048x32xf32, #tpu.memory_space<vmem>> -> memref<128x32xf32, #tpu.memory_space<vmem>>
      %dma_wait3A_328 = arith.constant 0 : i32
      %dma_wait3A_329 = tpu.memref_slice %arg5[%dma_wait3A_324, %dma_wait3A_328] : memref<16x128xi32, #tpu.memory_space<vmem>> -> memref<1x128xi32, #tpu.memory_space<vmem>>
      %dma_wait3A_330 = tpu.memref_squeeze %dma_wait3A_329 : memref<1x128xi32, #tpu.memory_space<vmem>> -> memref<128xi32, #tpu.memory_space<vmem>>
      %dma_wait3A_331 = arith.constant 0 : i32
      %dma_wait3A_332 = arith.constant 0 : i32
      %dma_wait3A_333 = tpu.memref_slice %arg2[%dma_wait3A_331, %dma_wait3A_332] : memref<16384x32xf32, #tpu.memory_space<hbm>> -> memref<16384x32xf32, #tpu.memory_space<hbm>>
      tpu.wait_indirect_dma semaphore(%arg7 : memref<!tpu.dma_semaphore, #tpu.memory_space<semaphore_mem>>) src(%dma_wait3A_333 : memref<16384x32xf32, #tpu.memory_space<hbm>>) dst(%dma_wait3A_327 : memref<128x32xf32, #tpu.memory_space<vmem>>)
      %dma_wait3A_334 = arith.constant 14 : i32
      %dma_wait3A_335 = arith.constant 1792 : i32
      %dma_wait3A_336 = arith.constant 0 : i32
      %dma_wait3A_337 = tpu.memref_slice %arg6[%dma_wait3A_335, %dma_wait3A_336] : memref<2048x32xf32, #tpu.memory_space<vmem>> -> memref<128x32xf32, #tpu.memory_space<vmem>>
      %dma_wait3A_338 = arith.constant 0 : i32
      %dma_wait3A_339 = tpu.memref_slice %arg5[%dma_wait3A_334, %dma_wait3A_338] : memref<16x128xi32, #tpu.memory_space<vmem>> -> memref<1x128xi32, #tpu.memory_space<vmem>>
      %dma_wait3A_340 = tpu.memref_squeeze %dma_wait3A_339 : memref<1x128xi32, #tpu.memory_space<vmem>> -> memref<128xi32, #tpu.memory_space<vmem>>
      %dma_wait3A_341 = arith.constant 0 : i32
      %dma_wait3A_342 = arith.constant 0 : i32
      %dma_wait3A_343 = tpu.memref_slice %arg2[%dma_wait3A_341, %dma_wait3A_342] : memref<16384x32xf32, #tpu.memory_space<hbm>> -> memref<16384x32xf32, #tpu.memory_space<hbm>>
      tpu.wait_indirect_dma semaphore(%arg7 : memref<!tpu.dma_semaphore, #tpu.memory_space<semaphore_mem>>) src(%dma_wait3A_343 : memref<16384x32xf32, #tpu.memory_space<hbm>>) dst(%dma_wait3A_337 : memref<128x32xf32, #tpu.memory_space<vmem>>)
      %dma_wait3A_344 = arith.constant 15 : i32
      %dma_wait3A_345 = arith.constant 1920 : i32
      %dma_wait3A_346 = arith.constant 0 : i32
      %dma_wait3A_347 = tpu.memref_slice %arg6[%dma_wait3A_345, %dma_wait3A_346] : memref<2048x32xf32, #tpu.memory_space<vmem>> -> memref<128x32xf32, #tpu.memory_space<vmem>>
      %dma_wait3A_348 = arith.constant 0 : i32
      %dma_wait3A_349 = tpu.memref_slice %arg5[%dma_wait3A_344, %dma_wait3A_348] : memref<16x128xi32, #tpu.memory_space<vmem>> -> memref<1x128xi32, #tpu.memory_space<vmem>>
      %dma_wait3A_350 = tpu.memref_squeeze %dma_wait3A_349 : memref<1x128xi32, #tpu.memory_space<vmem>> -> memref<128xi32, #tpu.memory_space<vmem>>
      %dma_wait3A_351 = arith.constant 0 : i32
      %dma_wait3A_352 = arith.constant 0 : i32
      %dma_wait3A_353 = tpu.memref_slice %arg2[%dma_wait3A_351, %dma_wait3A_352] : memref<16384x32xf32, #tpu.memory_space<hbm>> -> memref<16384x32xf32, #tpu.memory_space<hbm>>
      tpu.wait_indirect_dma semaphore(%arg7 : memref<!tpu.dma_semaphore, #tpu.memory_space<semaphore_mem>>) src(%dma_wait3A_353 : memref<16384x32xf32, #tpu.memory_space<hbm>>) dst(%dma_wait3A_347 : memref<128x32xf32, #tpu.memory_space<vmem>>)
      %mul3A_354 = arith.constant 2048 : i32
      %mul3A_355 = arith.muli %add3A, %mul3A_354 : i32
      "tpu.region"() ({
        %run_scoped3A = tpu.sem_alloc : memref<!tpu.dma_semaphore, #tpu.memory_space<semaphore_mem>>
        %dma_start3A_356 = arith.constant 0 : i32
        %dma_start3A_357 = tpu.memref_slice %arg4[%mul3A_355, %dma_start3A_356] : memref<49152x32xf32, #tpu.memory_space<hbm>> -> memref<2048x32xf32, #tpu.memory_space<hbm>>
        %dma_start3A_358 = arith.constant 0 : i32
        %dma_start3A_359 = tpu.memref_slice %arg4[%mul3A_355, %dma_start3A_358] : memref<49152x32xf32, #tpu.memory_space<hbm>> -> memref<2048x32xf32, #tpu.memory_space<hbm>>
        tpu.enqueue_dma source(%arg6 : memref<2048x32xf32, #tpu.memory_space<vmem>>) target(%dma_start3A_359 : memref<2048x32xf32, #tpu.memory_space<hbm>>) target_semaphore(%run_scoped3A : memref<!tpu.dma_semaphore, #tpu.memory_space<semaphore_mem>>)
        %dma_wait3A_360 = arith.constant 0 : i32
        %dma_wait3A_361 = tpu.memref_slice %arg4[%mul3A_355, %dma_wait3A_360] : memref<49152x32xf32, #tpu.memory_space<hbm>> -> memref<2048x32xf32, #tpu.memory_space<hbm>>
        %dma_wait3A_362 = arith.constant 0 : i32
        %dma_wait3A_363 = tpu.memref_slice %arg4[%mul3A_355, %dma_wait3A_362] : memref<49152x32xf32, #tpu.memory_space<hbm>> -> memref<2048x32xf32, #tpu.memory_space<hbm>>
        tpu.wait_dma2 semaphore(%run_scoped3A : memref<!tpu.dma_semaphore, #tpu.memory_space<semaphore_mem>>) src(%arg6 : memref<2048x32xf32, #tpu.memory_space<vmem>>) dst(%dma_wait3A_363 : memref<2048x32xf32, #tpu.memory_space<hbm>>)
        tpu.yield
      }) : () -> ()
    } else {
    }
    return
  }
}

module attributes {stable_mosaic.version = 14 : i64} {
  func.func @_knn_body(%arg0: i32, %arg1: i32, %arg2: memref<1x32x2048xf32, #tpu.memory_space<vmem>>, %arg3: memref<1x32x2048xf32, #tpu.memory_space<vmem>>, %arg4: memref<1x8x2048xi32, #tpu.memory_space<vmem>>, %arg5: memref<2048x32xf32, #tpu.memory_space<vmem>>) attributes {dimension_semantics = [#tpu.dimension_semantics<arbitrary>, #tpu.dimension_semantics<arbitrary>], iteration_bounds = array<i64: 8, 1>, scalar_prefetch = 0 : i64, scratch_operands = 0 : i64, tpu.core_type = #tpu.core_type<tc>, window_params = [{transform_indices = @transform_0, window_bounds = array<i64: 1, 32, 2048>}, {transform_indices = @transform_1, window_bounds = array<i64: 1, 32, 2048>}, {transform_indices = @transform_2, window_bounds = array<i64: 1, 8, 2048>}, {transform_indices = @transform_3, window_bounds = array<i64: 2048, 32>}]} {
    %get3A = arith.constant 0 : index
    %get3A_0 = arith.constant 0 : index
    %get3A_1 = arith.constant 0 : index
    %get3A_2 = vector.load %arg2[%get3A, %get3A_0, %get3A_1] : memref<1x32x2048xf32, #tpu.memory_space<vmem>>, vector<1x32x2048xf32>
    %get3A_3 = vector.shape_cast %get3A_2 : vector<1x32x2048xf32> to vector<32x2048xf32>
    %get3A_4 = arith.constant 0 : index
    %get3A_5 = arith.constant 0 : index
    %get3A_6 = arith.constant 0 : index
    %get3A_7 = vector.load %arg3[%get3A_4, %get3A_5, %get3A_6] : memref<1x32x2048xf32, #tpu.memory_space<vmem>>, vector<1x32x2048xf32>
    %get3A_8 = vector.shape_cast %get3A_7 : vector<1x32x2048xf32> to vector<32x2048xf32>
    %dot_general3A = arith.constant dense<0.000000e+00> : vector<2048x2048xf32>
    %dot_general3A_9 = tpu.matmul %get3A_8, %get3A_3, %dot_general3A {dimension_numbers = #tpu.dot_dimension_numbers<[0], [0], [1], [1], [0, 1, 1, 1], [], []>, transpose_lhs_hint = false} : vector<32x2048xf32>, vector<32x2048xf32>, vector<2048x2048xf32> -> vector<2048x2048xf32>
    %mul3A = arith.constant 2.000000e+00 : f32
    %mul3A_10 = vector.broadcast %mul3A : f32 to vector<2048x2048xf32>
    %mul3A_11 = arith.mulf %mul3A_10, %dot_general3A_9 : vector<2048x2048xf32>
    %iota3A = tpu.iota {dimensions = array<i32: 1>} : vector<2048x2048xi32>
    %convert_element_type3A = arith.sitofp %iota3A : vector<2048x2048xi32> to vector<2048x2048xf32>
    %mul3A_12 = arith.constant 2048 : i32
    %mul3A_13 = arith.muli %arg1, %mul3A_12 : i32
    %convert_element_type3A_14 = arith.sitofp %mul3A_13 : i32 to f32
    %iota3A_15 = tpu.iota {dimensions = array<i32: 0>} : vector<2048x1xi32>
    %convert_element_type3A_16 = arith.sitofp %iota3A_15 : vector<2048x1xi32> to vector<2048x1xf32>
    %add3A = vector.broadcast %convert_element_type3A_14 : f32 to vector<2048x1xf32>
    %add3A_17 = arith.addf %add3A, %convert_element_type3A_16 : vector<2048x1xf32>
    %squeeze3A = vector.shape_cast %add3A_17 : vector<2048x1xf32> to vector<2048xf32>
    %eq3A = vector.broadcast %add3A_17 : vector<2048x1xf32> to vector<2048x2048xf32>
    %eq3A_18 = arith.cmpf oeq, %convert_element_type3A, %eq3A : vector<2048x2048xf32>
    %mul3A_19 = arith.mulf %get3A_3, %get3A_3 : vector<32x2048xf32>
    %reduce_sum3A = arith.constant dense<0.000000e+00> : vector<2048xf32>
    %reduce_sum3A_20 = vector.multi_reduction <add>, %mul3A_19, %reduce_sum3A [0] : vector<32x2048xf32> to vector<2048xf32>
    %broadcast_in_dim3A = vector.shape_cast %reduce_sum3A_20 : vector<2048xf32> to vector<1x2048xf32>
    %sub3A = vector.broadcast %broadcast_in_dim3A : vector<1x2048xf32> to vector<2048x2048xf32>
    %sub3A_21 = arith.subf %mul3A_11, %sub3A : vector<2048x2048xf32>
    %jit3A = arith.constant -3.000000e+38 : f32
    %broadcast_in_dim3A_22 = vector.broadcast %jit3A : f32 to vector<2048x2048xf32>
    %select_n3A = arith.select %eq3A_18, %broadcast_in_dim3A_22, %sub3A_21 : vector<2048x2048xi1>, vector<2048x2048xf32>
    %reduce_max3A = arith.constant dense<0xFF800000> : vector<2048xf32>
    %reduce_max3A_23 = vector.multi_reduction <maximumf>, %select_n3A, %reduce_max3A [1] : vector<2048x2048xf32> to vector<2048xf32>
    %broadcast_in_dim3A_24 = vector.shape_cast %reduce_max3A_23 : vector<2048xf32> to vector<2048x1xf32>
    %eq3A_25 = vector.broadcast %broadcast_in_dim3A_24 : vector<2048x1xf32> to vector<2048x2048xf32>
    %eq3A_26 = arith.cmpf oeq, %select_n3A, %eq3A_25 : vector<2048x2048xf32>
    %jit3A_27 = arith.constant 2.048000e+03 : f32
    %broadcast_in_dim3A_28 = vector.broadcast %jit3A_27 : f32 to vector<2048x2048xf32>
    %select_n3A_29 = arith.select %eq3A_26, %convert_element_type3A, %broadcast_in_dim3A_28 : vector<2048x2048xi1>, vector<2048x2048xf32>
    %reduce_min3A = arith.constant dense<0x7F800000> : vector<2048xf32>
    %reduce_min3A_30 = vector.multi_reduction <minimumf>, %select_n3A_29, %reduce_min3A [1] : vector<2048x2048xf32> to vector<2048xf32>
    %broadcast_in_dim3A_31 = vector.shape_cast %reduce_min3A_30 : vector<2048xf32> to vector<2048x1xf32>
    %eq3A_32 = vector.broadcast %broadcast_in_dim3A_31 : vector<2048x1xf32> to vector<2048x2048xf32>
    %eq3A_33 = arith.cmpf oeq, %convert_element_type3A, %eq3A_32 : vector<2048x2048xf32>
    %jit3A_34 = arith.constant -3.000000e+38 : f32
    %broadcast_in_dim3A_35 = vector.broadcast %jit3A_34 : f32 to vector<2048x2048xf32>
    %select_n3A_36 = arith.select %eq3A_33, %broadcast_in_dim3A_35, %select_n3A : vector<2048x2048xi1>, vector<2048x2048xf32>
    %reduce_max3A_37 = arith.constant dense<0xFF800000> : vector<2048xf32>
    %reduce_max3A_38 = vector.multi_reduction <maximumf>, %select_n3A_36, %reduce_max3A_37 [1] : vector<2048x2048xf32> to vector<2048xf32>
    %broadcast_in_dim3A_39 = vector.shape_cast %reduce_max3A_38 : vector<2048xf32> to vector<2048x1xf32>
    %eq3A_40 = vector.broadcast %broadcast_in_dim3A_39 : vector<2048x1xf32> to vector<2048x2048xf32>
    %eq3A_41 = arith.cmpf oeq, %select_n3A_36, %eq3A_40 : vector<2048x2048xf32>
    %jit3A_42 = arith.constant 2.048000e+03 : f32
    %broadcast_in_dim3A_43 = vector.broadcast %jit3A_42 : f32 to vector<2048x2048xf32>
    %select_n3A_44 = arith.select %eq3A_41, %convert_element_type3A, %broadcast_in_dim3A_43 : vector<2048x2048xi1>, vector<2048x2048xf32>
    %reduce_min3A_45 = arith.constant dense<0x7F800000> : vector<2048xf32>
    %reduce_min3A_46 = vector.multi_reduction <minimumf>, %select_n3A_44, %reduce_min3A_45 [1] : vector<2048x2048xf32> to vector<2048xf32>
    %broadcast_in_dim3A_47 = vector.shape_cast %reduce_min3A_46 : vector<2048xf32> to vector<2048x1xf32>
    %eq3A_48 = vector.broadcast %broadcast_in_dim3A_47 : vector<2048x1xf32> to vector<2048x2048xf32>
    %eq3A_49 = arith.cmpf oeq, %convert_element_type3A, %eq3A_48 : vector<2048x2048xf32>
    %jit3A_50 = arith.constant -3.000000e+38 : f32
    %broadcast_in_dim3A_51 = vector.broadcast %jit3A_50 : f32 to vector<2048x2048xf32>
    %select_n3A_52 = arith.select %eq3A_49, %broadcast_in_dim3A_51, %select_n3A_36 : vector<2048x2048xi1>, vector<2048x2048xf32>
    %reduce_max3A_53 = arith.constant dense<0xFF800000> : vector<2048xf32>
    %reduce_max3A_54 = vector.multi_reduction <maximumf>, %select_n3A_52, %reduce_max3A_53 [1] : vector<2048x2048xf32> to vector<2048xf32>
    %broadcast_in_dim3A_55 = vector.shape_cast %reduce_max3A_54 : vector<2048xf32> to vector<2048x1xf32>
    %eq3A_56 = vector.broadcast %broadcast_in_dim3A_55 : vector<2048x1xf32> to vector<2048x2048xf32>
    %eq3A_57 = arith.cmpf oeq, %select_n3A_52, %eq3A_56 : vector<2048x2048xf32>
    %jit3A_58 = arith.constant 2.048000e+03 : f32
    %broadcast_in_dim3A_59 = vector.broadcast %jit3A_58 : f32 to vector<2048x2048xf32>
    %select_n3A_60 = arith.select %eq3A_57, %convert_element_type3A, %broadcast_in_dim3A_59 : vector<2048x2048xi1>, vector<2048x2048xf32>
    %reduce_min3A_61 = arith.constant dense<0x7F800000> : vector<2048xf32>
    %reduce_min3A_62 = vector.multi_reduction <minimumf>, %select_n3A_60, %reduce_min3A_61 [1] : vector<2048x2048xf32> to vector<2048xf32>
    %stack3A = vector.shape_cast %squeeze3A : vector<2048xf32> to vector<1x2048xf32>
    %stack3A_63 = vector.shape_cast %reduce_min3A_30 : vector<2048xf32> to vector<1x2048xf32>
    %stack3A_64 = vector.shape_cast %reduce_min3A_46 : vector<2048xf32> to vector<1x2048xf32>
    %stack3A_65 = vector.shape_cast %reduce_min3A_62 : vector<2048xf32> to vector<1x2048xf32>
    %stack3A_66 = tpu.concatenate %stack3A, %stack3A_63, %stack3A_64, %stack3A_65 in 0 : vector<1x2048xf32>, vector<1x2048xf32>, vector<1x2048xf32>, vector<1x2048xf32> -> vector<4x2048xf32>
    %convert_element_type3A_67 = arith.fptosi %stack3A_66 : vector<4x2048xf32> to vector<4x2048xi32>
    %mul3A_68 = arith.constant 2048 : i32
    %mul3A_69 = arith.muli %arg0, %mul3A_68 : i32
    %add3A_70 = vector.broadcast %mul3A_69 : i32 to vector<4x2048xi32>
    %add3A_71 = arith.addi %convert_element_type3A_67, %add3A_70 : vector<4x2048xi32>
    %swap3A = arith.constant 0 : index
    %swap3A_72 = arith.constant 0 : index
    %swap3A_73 = arith.constant 0 : index
    %swap3A_74 = vector.load %arg4[%swap3A, %swap3A_72, %swap3A_73] : memref<1x8x2048xi32, #tpu.memory_space<vmem>>, vector<1x4x2048xi32>
    %swap3A_75 = vector.shape_cast %swap3A_74 : vector<1x4x2048xi32> to vector<4x2048xi32>
    %swap3A_76 = vector.shape_cast %add3A_71 : vector<4x2048xi32> to vector<1x4x2048xi32>
    tpu.vector_store %arg4[%swap3A, %swap3A_72, %swap3A_73], %swap3A_76 {strides = array<i32>} : memref<1x8x2048xi32, #tpu.memory_space<vmem>>, vector<1x4x2048xi32>,
    %transpose3A = tpu.transpose %get3A_8, [1, 0] : vector<32x2048xf32> -> vector<2048x32xf32>
    %swap3A_77 = arith.constant 0 : index
    %swap3A_78 = arith.constant 0 : index
    %swap3A_79 = vector.load %arg5[%swap3A_77, %swap3A_78] : memref<2048x32xf32, #tpu.memory_space<vmem>>, vector<2048x32xf32>
    tpu.vector_store %arg5[%swap3A_77, %swap3A_78], %transpose3A {strides = array<i32>} : memref<2048x32xf32, #tpu.memory_space<vmem>>, vector<2048x32xf32>,
    return
  }
  func.func @transform_0(%arg0: i32, %arg1: i32) -> (i32, i32, i32) {
    %c0_i32 = arith.constant 0 : i32
    %c0_i32_0 = arith.constant 0 : i32
    %c0_i32_1 = arith.constant 0 : i32
    return %arg0, %c0_i32, %c0_i32_0 : i32, i32, i32
  }
  func.func @transform_1(%arg0: i32, %arg1: i32) -> (i32, i32, i32) {
    %c0_i32 = arith.constant 0 : i32
    %c0_i32_0 = arith.constant 0 : i32
    return %arg0, %c0_i32, %arg1 : i32, i32, i32
  }
  func.func @transform_2(%arg0: i32, %arg1: i32) -> (i32, i32, i32) {
    %c0_i32 = arith.constant 0 : i32
    %c0_i32_0 = arith.constant 0 : i32
    return %arg0, %c0_i32, %arg1 : i32, i32, i32
  }
  func.func @transform_3(%arg0: i32, %arg1: i32) -> (i32, i32) {
    %mul3A = arith.constant 1 : i32
    %mul3A_0 = arith.muli %arg0, %mul3A : i32
    %add3A = arith.addi %mul3A_0, %arg1 : i32
    %c0_i32 = arith.constant 0 : i32
    %c0_i32_1 = arith.constant 0 : i32
    return %add3A, %c0_i32 : i32, i32
  }
}

module attributes {stable_mosaic.version = 14 : i64} {
  func.func @_mlp_body(%arg0: i32, %arg1: i32, %arg2: memref<2048x32xf32, #tpu.memory_space<vmem>>, %arg3: memref<1x3x2048x32xf32, #tpu.memory_space<vmem>>, %arg4: memref<64x64xf32, #tpu.memory_space<vmem>>, %arg5: memref<1x64xf32, #tpu.memory_space<vmem>>, %arg6: memref<128x128xf32, #tpu.memory_space<vmem>>, %arg7: memref<1x128xf32, #tpu.memory_space<vmem>>, %arg8: memref<128x128xf32, #tpu.memory_space<vmem>>, %arg9: memref<1x128xf32, #tpu.memory_space<vmem>>, %arg10: memref<1x64x4096xf32, #tpu.memory_space<vmem>>) attributes {dimension_semantics = [#tpu.dimension_semantics<arbitrary>, #tpu.dimension_semantics<arbitrary>], iteration_bounds = array<i64: 8, 1>, scalar_prefetch = 0 : i64, scratch_operands = 0 : i64, tpu.core_type = #tpu.core_type<tc>, window_params = [{transform_indices = @transform_0, window_bounds = array<i64: 2048, 32>}, {transform_indices = @transform_1, window_bounds = array<i64: 1, 3, 2048, 32>}, {pipeline_mode = #tpu.pipeline_mode<synchronous>, transform_indices = @transform_2, window_bounds = array<i64: 64, 64>}, {pipeline_mode = #tpu.pipeline_mode<synchronous>, transform_indices = @transform_3, window_bounds = array<i64: 1, 64>}, {pipeline_mode = #tpu.pipeline_mode<synchronous>, transform_indices = @transform_4, window_bounds = array<i64: 128, 128>}, {pipeline_mode = #tpu.pipeline_mode<synchronous>, transform_indices = @transform_5, window_bounds = array<i64: 1, 128>}, {pipeline_mode = #tpu.pipeline_mode<synchronous>, transform_indices = @transform_6, window_bounds = array<i64: 128, 128>}, {pipeline_mode = #tpu.pipeline_mode<synchronous>, transform_indices = @transform_7, window_bounds = array<i64: 1, 128>}, {transform_indices = @transform_8, window_bounds = array<i64: 1, 64, 4096>}]} {
    %get3A = arith.constant 0 : index
    %get3A_0 = arith.constant 0 : index
    %get3A_1 = vector.load %arg2[%get3A, %get3A_0] : memref<2048x32xf32, #tpu.memory_space<vmem>>, vector<2048x32xf32>
    %get3A_2 = arith.constant 0 : index
    %get3A_3 = arith.constant 0 : index
    %get3A_4 = arith.constant 0 : index
    %get3A_5 = arith.constant 0 : index
    %get3A_6 = vector.load %arg3[%get3A_2, %get3A_3, %get3A_4, %get3A_5] : memref<1x3x2048x32xf32, #tpu.memory_space<vmem>>, vector<1x3x2048x32xf32>
    %get3A_7 = vector.shape_cast %get3A_6 : vector<1x3x2048x32xf32> to vector<3x2048x32xf32>
    %broadcast_in_dim3A = vector.shape_cast %get3A_1 : vector<2048x32xf32> to vector<1x2048x32xf32>
    %broadcast_in_dim3A_8 = vector.shape_cast %broadcast_in_dim3A : vector<1x2048x32xf32> to vector<1x2048x32xf32>
    %broadcast_in_dim3A_9 = vector.broadcast %broadcast_in_dim3A_8 : vector<1x2048x32xf32> to vector<4x2048x32xf32>
    %broadcast_in_dim3A_10 = vector.shape_cast %get3A_1 : vector<2048x32xf32> to vector<1x2048x32xf32>
    %concatenate3A = tpu.concatenate %broadcast_in_dim3A_10, %get3A_7 in 0 : vector<1x2048x32xf32>, vector<3x2048x32xf32> -> vector<4x2048x32xf32>
    %concatenate3A_11 = tpu.concatenate %broadcast_in_dim3A_9, %concatenate3A in 2 : vector<4x2048x32xf32>, vector<4x2048x32xf32> -> vector<4x2048x64xf32>
    %reshape3A = vector.shape_cast %concatenate3A_11 : vector<4x2048x64xf32> to vector<8192x64xf32>
    %get3A_12 = arith.constant 0 : index
    %get3A_13 = arith.constant 0 : index
    %get3A_14 = vector.load %arg4[%get3A_12, %get3A_13] : memref<64x64xf32, #tpu.memory_space<vmem>>, vector<64x64xf32>
    %dot_general3A = arith.constant dense<0.000000e+00> : vector<8192x64xf32>
    %dot_general3A_15 = tpu.matmul %reshape3A, %get3A_14, %dot_general3A {dimension_numbers = #tpu.dot_dimension_numbers<[1], [1], [0], [0], [0, 0, 1, 0], [], []>, transpose_lhs_hint = false} : vector<8192x64xf32>, vector<64x64xf32>, vector<8192x64xf32> -> vector<8192x64xf32>
    %get3A_16 = arith.constant 0 : index
    %get3A_17 = arith.constant 0 : index
    %get3A_18 = vector.load %arg5[%get3A_16, %get3A_17] : memref<1x64xf32, #tpu.memory_space<vmem>>, vector<1x64xf32>
    %add3A = vector.broadcast %get3A_18 : vector<1x64xf32> to vector<8192x64xf32>
    %add3A_19 = arith.addf %dot_general3A_15, %add3A : vector<8192x64xf32>
    %concatenate3A_20 = tpu.concatenate %add3A_19, %reshape3A in 1 : vector<8192x64xf32>, vector<8192x64xf32> -> vector<8192x128xf32>
    %max3A = arith.constant 0.000000e+00 : f32
    %max3A_21 = vector.broadcast %max3A : f32 to vector<8192x128xf32>
    %max3A_22 = arith.maximumf %concatenate3A_20, %max3A_21 : vector<8192x128xf32>
    %get3A_23 = arith.constant 0 : index
    %get3A_24 = arith.constant 0 : index
    %get3A_25 = vector.load %arg6[%get3A_23, %get3A_24] : memref<128x128xf32, #tpu.memory_space<vmem>>, vector<128x128xf32>
    %dot_general3A_26 = arith.constant dense<0.000000e+00> : vector<8192x128xf32>
    %dot_general3A_27 = tpu.matmul %max3A_22, %get3A_25, %dot_general3A_26 {dimension_numbers = #tpu.dot_dimension_numbers<[1], [1], [0], [0], [0, 0, 1, 0], [], []>, transpose_lhs_hint = false} : vector<8192x128xf32>, vector<128x128xf32>, vector<8192x128xf32> -> vector<8192x128xf32>
    %get3A_28 = arith.constant 0 : index
    %get3A_29 = arith.constant 0 : index
    %get3A_30 = vector.load %arg7[%get3A_28, %get3A_29] : memref<1x128xf32, #tpu.memory_space<vmem>>, vector<1x128xf32>
    %add3A_31 = vector.broadcast %get3A_30 : vector<1x128xf32> to vector<8192x128xf32>
    %add3A_32 = arith.addf %dot_general3A_27, %add3A_31 : vector<8192x128xf32>
    %max3A_33 = arith.constant 0.000000e+00 : f32
    %max3A_34 = vector.broadcast %max3A_33 : f32 to vector<8192x128xf32>
    %max3A_35 = arith.maximumf %add3A_32, %max3A_34 : vector<8192x128xf32>
    %get3A_36 = arith.constant 0 : index
    %get3A_37 = arith.constant 0 : index
    %get3A_38 = vector.load %arg8[%get3A_36, %get3A_37] : memref<128x128xf32, #tpu.memory_space<vmem>>, vector<128x128xf32>
    %dot_general3A_39 = arith.constant dense<0.000000e+00> : vector<8192x128xf32>
    %dot_general3A_40 = tpu.matmul %max3A_35, %get3A_38, %dot_general3A_39 {dimension_numbers = #tpu.dot_dimension_numbers<[1], [1], [0], [0], [0, 0, 1, 0], [], []>, transpose_lhs_hint = false} : vector<8192x128xf32>, vector<128x128xf32>, vector<8192x128xf32> -> vector<8192x128xf32>
    %get3A_41 = arith.constant 0 : index
    %get3A_42 = arith.constant 0 : index
    %get3A_43 = vector.load %arg9[%get3A_41, %get3A_42] : memref<1x128xf32, #tpu.memory_space<vmem>>, vector<1x128xf32>
    %add3A_44 = vector.broadcast %get3A_43 : vector<1x128xf32> to vector<8192x128xf32>
    %add3A_45 = arith.addf %dot_general3A_40, %add3A_44 : vector<8192x128xf32>
    %slice3A = vector.extract_strided_slice %add3A_45 {offsets = [0, 0], sizes = [2048, 128], strides = [1, 1]} : vector<8192x128xf32> to vector<2048x128xf32>
    %slice3A_46 = vector.extract_strided_slice %add3A_45 {offsets = [2048, 0], sizes = [2048, 128], strides = [1, 1]} : vector<8192x128xf32> to vector<2048x128xf32>
    %max3A_47 = arith.maximumf %slice3A, %slice3A_46 : vector<2048x128xf32>
    %slice3A_48 = vector.extract_strided_slice %add3A_45 {offsets = [4096, 0], sizes = [2048, 128], strides = [1, 1]} : vector<8192x128xf32> to vector<2048x128xf32>
    %slice3A_49 = vector.extract_strided_slice %add3A_45 {offsets = [6144, 0], sizes = [2048, 128], strides = [1, 1]} : vector<8192x128xf32> to vector<2048x128xf32>
    %max3A_50 = arith.maximumf %slice3A_48, %slice3A_49 : vector<2048x128xf32>
    %max3A_51 = arith.maximumf %max3A_47, %max3A_50 : vector<2048x128xf32>
    %slice3A_52 = vector.extract_strided_slice %max3A_51 {offsets = [0, 0], sizes = [2048, 64], strides = [1, 1]} : vector<2048x128xf32> to vector<2048x64xf32>
    %broadcast_in_dim3A_53 = vector.shape_cast %slice3A_52 : vector<2048x64xf32> to vector<2048x1x64xf32>
    %slice3A_54 = vector.extract_strided_slice %max3A_51 {offsets = [0, 64], sizes = [2048, 64], strides = [1, 1]} : vector<2048x128xf32> to vector<2048x64xf32>
    %broadcast_in_dim3A_55 = vector.shape_cast %slice3A_54 : vector<2048x64xf32> to vector<2048x1x64xf32>
    %concatenate3A_56 = tpu.concatenate %broadcast_in_dim3A_53, %broadcast_in_dim3A_55 in 1 : vector<2048x1x64xf32>, vector<2048x1x64xf32> -> vector<2048x2x64xf32>
    %reshape3A_57 = vector.shape_cast %concatenate3A_56 : vector<2048x2x64xf32> to vector<4096x64xf32>
    %transpose3A = tpu.transpose %reshape3A_57, [1, 0] : vector<4096x64xf32> -> vector<64x4096xf32>
    %swap3A = arith.constant 0 : index
    %swap3A_58 = arith.constant 0 : index
    %swap3A_59 = arith.constant 0 : index
    %swap3A_60 = vector.load %arg10[%swap3A, %swap3A_58, %swap3A_59] : memref<1x64x4096xf32, #tpu.memory_space<vmem>>, vector<1x64x4096xf32>
    %swap3A_61 = vector.shape_cast %swap3A_60 : vector<1x64x4096xf32> to vector<64x4096xf32>
    %swap3A_62 = vector.shape_cast %transpose3A : vector<64x4096xf32> to vector<1x64x4096xf32>
    tpu.vector_store %arg10[%swap3A, %swap3A_58, %swap3A_59], %swap3A_62 {strides = array<i32>} : memref<1x64x4096xf32, #tpu.memory_space<vmem>>, vector<1x64x4096xf32>,
    return
  }
  func.func @transform_0(%arg0: i32, %arg1: i32) -> (i32, i32) {
    %mul3A = arith.constant 1 : i32
    %mul3A_0 = arith.muli %arg0, %mul3A : i32
    %add3A = arith.addi %mul3A_0, %arg1 : i32
    %c0_i32 = arith.constant 0 : i32
    %c0_i32_1 = arith.constant 0 : i32
    return %add3A, %c0_i32 : i32, i32
  }
  func.func @transform_1(%arg0: i32, %arg1: i32) -> (i32, i32, i32, i32) {
    %c0_i32 = arith.constant 0 : i32
    %c0_i32_0 = arith.constant 0 : i32
    %c0_i32_1 = arith.constant 0 : i32
    return %arg0, %c0_i32, %arg1, %c0_i32_0 : i32, i32, i32, i32
  }
  func.func @transform_2(%arg0: i32, %arg1: i32) -> (i32, i32) {
    %c0_i32 = arith.constant 0 : i32
    %c0_i32_0 = arith.constant 0 : i32
    %c0_i32_1 = arith.constant 0 : i32
    return %c0_i32, %c0_i32_0 : i32, i32
  }
  func.func @transform_3(%arg0: i32, %arg1: i32) -> (i32, i32) {
    %c0_i32 = arith.constant 0 : i32
    %c0_i32_0 = arith.constant 0 : i32
    %c0_i32_1 = arith.constant 0 : i32
    return %c0_i32, %c0_i32_0 : i32, i32
  }
  func.func @transform_4(%arg0: i32, %arg1: i32) -> (i32, i32) {
    %c0_i32 = arith.constant 0 : i32
    %c0_i32_0 = arith.constant 0 : i32
    %c0_i32_1 = arith.constant 0 : i32
    return %c0_i32, %c0_i32_0 : i32, i32
  }
  func.func @transform_5(%arg0: i32, %arg1: i32) -> (i32, i32) {
    %c0_i32 = arith.constant 0 : i32
    %c0_i32_0 = arith.constant 0 : i32
    %c0_i32_1 = arith.constant 0 : i32
    return %c0_i32, %c0_i32_0 : i32, i32
  }
  func.func @transform_6(%arg0: i32, %arg1: i32) -> (i32, i32) {
    %c0_i32 = arith.constant 0 : i32
    %c0_i32_0 = arith.constant 0 : i32
    %c0_i32_1 = arith.constant 0 : i32
    return %c0_i32, %c0_i32_0 : i32, i32
  }
  func.func @transform_7(%arg0: i32, %arg1: i32) -> (i32, i32) {
    %c0_i32 = arith.constant 0 : i32
    %c0_i32_0 = arith.constant 0 : i32
    %c0_i32_1 = arith.constant 0 : i32
    return %c0_i32, %c0_i32_0 : i32, i32
  }
  func.func @transform_8(%arg0: i32, %arg1: i32) -> (i32, i32, i32) {
    %c0_i32 = arith.constant 0 : i32
    %c0_i32_0 = arith.constant 0 : i32
    return %arg0, %c0_i32, %arg1 : i32, i32, i32
  }
}

</mosaic_0001>

<sc_bundles>
// kernel: kernel.5.cloned.1.call-start
scs
__scs_entry_jumppad:
0x0: {  	(pc) =	sbr.rel $0x88, $3  }
0x1: {  	(tag) =	ssettag $0x0;
	lr =	simm.s32 $0x1  }
0x2: {  	[smem:$0x3F9A] =	sst lr;
	_ =	strace $0xD0000000  }
0x3: {  	_ = 	snop  }
0x4: {  	_ = 	snop  }
0x5: {  	_ = 	snop  }
0x6: {  	_ = 	snop  }
0x7: {  	_ = 	snop  }
__scs_overlays_trampoline_lowered:
0x8: {  	[smem:$0x3FA9] =	sst s0  }
0x9: {  	[smem:$0x3FAA] =	sst s1  }
0xa: {  	[smem:$0x3FAB] =	sst s2  }
0xb: {  	[smem:$0x3FAC] =	sst s3  }
0xc: {  	[smem:$0x3FAD] =	sst s4  }
0xd: {  	[smem:$0x3FAE] =	sst s5  }
0xe: {  	[smem:$0x3FAF] =	sst s6  }
0xf: {  	[smem:$0x3FB0] =	sst s7  }
0x10: {  	[smem:$0x3FB1] =	sst s8  }
0x11: {  	[smem:$0x3FB2] =	sst s9;
	s0 =	simm.s32 @!p0 $0x0  }
0x12: {  	s1 =	sld [smem:$0x3F98];
	s0 =	simm.s32 @p0 $0x1  }
0x13: {  	[smem:$0x3FB3] =	sst s0;
	s0 =	simm.s32 @!p1 $0x0  }
0x14: {  	s2 =	sld [smem:$0x3F97];
	s0 =	simm.s32 @p1 $0x1  }
0x15: {  	[smem:$0x3FB4] =	sst s0;
	s0 =	simm.s32 @!p2 $0x0  }
0x16: {  	s3 =	sld [smem:$0x3FDB];
	s0 =	simm.s32 @p2 $0x1  }
0x17: {  	s4 =	simm.s32 $0x1BF5;
	[smem:$0x3FB6] =	sst s0  }
0x18: {  	s0 =	sld [smem:$0x3F99];
	_ =	swait.ge [sflag:s4], $0x0  }
0x19: {  	s7 =	sld [smem:$0x3F9A]  }
0x1a: {  	s8 =	sadd.s32 $0xFFFFE003, lr  }
0x1b: {  	s9 =	sadd.s32 $0xFFFFFEF7, lr;
	s5 =	simm.s32 $0xFFFFFFFF;
	p2 =	slt.u32 s8, $0xFFFFF086  }
0x1c: {  	p1 =	slt.u32 s9, $0xF7A;
	s5 =	simm.s32 @!p2 $0x0  }
0x1d: {  	s5 =	simm.s32 @p1 $0x1;
	p0 =	seq.s32 s7, s2  }
0x1e: {  	s7 =	smul.u32 @!p0 $0xF7A, s2;
	p2 =	seq.s32 @!p0 s5, $0x0  }
0x1f: {  	s9 =	smul.u32 $0xF7A, s1;
	s8 =	simm.s32 @!p0 $0x1BF5;
	p2 =	por !p2, p0  }
0x20: {  	[sflag:s8] =	ssyncset.s32 @!p0 $0xFFFFF086;
	s6 =	sadd.s32 @!p0 s3, s7;
	s7 =	simm.s32 @!p0 $0x108  }
0x21: {  	s3 =	sadd.s32 s3, s9;
	s6 =	sadd.s32 @!p0 $0x88, s6;
	s7 =	simm.s32 @p2 $0x1082  }
0x22: {  	[simem:s7], [sflag:s8] =	dma.local @!p0 [hbm:s6], $0xF7A  }
0x23: {  	s9 =	sor.u32 $0xD0000000, s2;
	s6 =	simm.s32 $0x108;
	_ =	swait.ge @!p0 [sflag:s8], $0x0  }
0x24: {  	s3 =	sadd.s32 $0x88, s3;
	s6 =	simm.s32 @!p1 $0x1082;
	[sflag:s4] =	ssyncset.s32 $0xFFFFF086  }
0x25: {  	[simem:s6], [sflag:s4] =	dma.local [hbm:s3], $0xF7A  }
0x26: {  	[smem:$0x3F9A] =	sst s1;
	(tag) =	ssettag s2;
	_ =	strace s9  }
0x27: {  	s1 =	sld [smem:$0x3FAA]  }
0x28: {  	s2 =	sld [smem:$0x3FAB]  }
0x29: {  	s4 =	sld [smem:$0x3FAD]  }
0x2a: {  	p0 =	seq.s32 s5, $0x0;
	s5 =	sld [smem:$0x3FAE]  }
0x2b: {  	s6 =	sld [smem:$0x3FAF]  }
0x2c: {  	s7 =	sld [smem:$0x3FB0]  }
0x2d: {  	s3 =	simm.s32 $0x108;
	s8 =	sld [smem:$0x3FB1]  }
0x2e: {  	s3 =	simm.s32 @!p0 $0x1082;
	s9 =	sld [smem:$0x3FB2]  }
0x2f: {  	lr =	sadd.s32 s0, s3;
	s0 =	sld [smem:$0x3FA9]  }
0x30: {  	s3 =	sld [smem:$0x3FAC]  }
0x31: {  	[smem:$0x3FB5] =	sst s10  }
0x32: {  	s10 =	sld [smem:$0x3FB3];
	_ =	sdelay $0x3  }
0x33: {  	p0 =	seq.s32 s10, $0x1;
	s10 =	sld [smem:$0x3FB5];
	_ =	sdelay $0x3  }
0x34: {  	[smem:$0x3FB5] =	sst s10  }
0x35: {  	s10 =	sld [smem:$0x3FB4];
	_ =	sdelay $0x3  }
0x36: {  	p1 =	seq.s32 s10, $0x1;
	s10 =	sld [smem:$0x3FB5];
	_ =	sdelay $0x3  }
0x37: {  	[smem:$0x3FB5] =	sst s10  }
0x38: {  	s10 =	sld [smem:$0x3FB6]  }
0x39: {  	_ = 	snop;
	(pc) =	sbr.ind lr, $3  }
0x3a: {  	_ = 	snop  }
0x3b: {  	_ = 	snop  }
0x3c: {  	p2 =	seq.s32 s10, $0x1;
	s10 =	sld [smem:$0x3FB5]  }
0x3d: {  	_ =	shalt  }
0x3e: {  	_ =	shalt  }
0x3f: {  	_ =	shalt  }
0x40: {  	_ =	shalt  }
0x41: {  	_ =	shalt  }
0x42: {  	_ =	shalt  }
0x43: {  	_ =	shalt  }
0x44: {  	_ =	shalt  }
0x45: {  	_ =	shalt  }
0x46: {  	_ =	shalt  }
0x47: {  	_ =	shalt  }
0x48: {  	_ =	shalt  }
0x49: {  	_ =	shalt  }
0x4a: {  	_ =	shalt  }
0x4b: {  	_ =	shalt  }
0x4c: {  	_ =	shalt  }
0x4d: {  	_ =	shalt  }
0x4e: {  	_ =	shalt  }
0x4f: {  	_ =	shalt  }
0x50: {  	_ =	shalt  }
0x51: {  	_ =	shalt  }
0x52: {  	_ =	shalt  }
0x53: {  	_ =	shalt  }
0x54: {  	_ =	shalt  }
0x55: {  	_ =	shalt  }
0x56: {  	_ =	shalt  }
0x57: {  	_ =	shalt  }
0x58: {  	_ =	shalt  }
0x59: {  	_ =	shalt  }
0x5a: {  	_ =	shalt  }
0x5b: {  	_ =	shalt  }
0x5c: {  	_ =	shalt  }
0x5d: {  	_ =	shalt  }
0x5e: {  	_ =	shalt  }
0x5f: {  	_ =	shalt  }
0x60: {  	_ =	shalt  }
0x61: {  	_ =	shalt  }
0x62: {  	_ =	shalt  }
0x63: {  	_ =	shalt  }
0x64: {  	_ =	shalt  }
0x65: {  	_ =	shalt  }
0x66: {  	_ =	shalt  }
0x67: {  	_ =	shalt  }
0x68: {  	_ =	shalt  }
0x69: {  	_ =	shalt  }
0x6a: {  	_ =	shalt  }
0x6b: {  	_ =	shalt  }
0x6c: {  	_ =	shalt  }
0x6d: {  	_ =	shalt  }
0x6e: {  	_ =	shalt  }
0x6f: {  	_ =	shalt  }
0x70: {  	_ =	shalt  }
0x71: {  	_ =	shalt  }
0x72: {  	_ =	shalt  }
0x73: {  	_ =	shalt  }
0x74: {  	_ =	shalt  }
0x75: {  	_ =	shalt  }
0x76: {  	_ =	shalt  }
0x77: {  	_ =	shalt  }
0x78: {  	_ =	shalt  }
0x79: {  	_ =	shalt  }
0x7a: {  	_ =	shalt  }
0x7b: {  	_ =	shalt  }
0x7c: {  	_ =	shalt  }
0x7d: {  	_ =	shalt  }
0x7e: {  	_ =	shalt  }
0x7f: {  	_ =	shalt  }
0x80: {  	_ =	shalt  }
0x81: {  	_ =	shalt  }
0x82: {  	_ =	shalt  }
0x83: {  	_ =	shalt  }
0x84: {  	_ =	shalt  }
0x85: {  	_ =	shalt  }
0x86: {  	_ =	shalt  }
0x87: {  	_ =	shalt  }
.Lfunc_end0:
.L_simem_size_0:
called_computation_lowered:
.L_overlay_start_0:
0x88: {  	s2 =	sld [smem:$0x3FD9]  }
0x89: {  	s3 =	sld [smem:$0x3FFE];
	_ =	sdelay $0x1  }
0x8a: {  	s1 =	srdreg.scid  }
0x8b: {  	s0 =	sand.u32 $0x1, s1  }
0x8c: {  	s17 =	sshll.u32 s0, $0xA;
	s2 =	sadd.s32 s3, s2  }
0x8d: {  	s2 =	sadd.s32 s2, s17  }
0x8e: {  	[smem:$0x3FC1] =	sst s2  }
0x8f: {  	_ = 	snop  }
0x90: {  	s2 =	sld [smem:$0x3FD0];
	(tm) =	ssettm $0x1  }
0x91: {  	s18 =	sld [smem:$0x3FFB];
	_ =	sdelay $0x3  }
0x92: {  	_ =	strace s18  }
0x93: {  	s3 =	sld [smem:$0x3FFC];
	_ =	sdelay $0x3  }
0x94: {  	_ =	strace s3  }
0x95: {  	s3 =	sld [smem:$0x3FFD];
	_ =	sdelay $0x3  }
0x96: {  	_ =	strace s3  }
0x97: {  	_ =	strace $0x8FFFFFFF  }
0x98: {  	s19 =	sld [smem:$0x3FDB];
	_ =	sdelay $0x1  }
0x99: {  	s4 =	simm.s32 $_scs_section_size  }
0x9a: {  	s5 =	simm.s32 $_size__tile_overlayer_lowered;
	s6 =	simm.s32 $_tile_overlayer_lowered  }
0x9b: {  	s22 =	simm.s32 $0x1BFF;
	s21 =	sshll.u32 s6, $0x1;
	s3 =	sadd.s32 s4, s19  }
0x9c: {  	s7 =	simm.s32 $0x0;
	s20 =	sshll.u32 s5, $0x1;
	s5 =	sadd.s32 s21, s3  }
0x9d: {  	[timem:s7], [sflag:s22] =	dma.local [hbm:s5], s20  }
0x9e: {  	_ =	swait.ge [sflag:s22], s20  }
0x9f: {  	s4 =	ssub.s32 $0x0, s20;
	[sflag:s22] =	ssyncset.done $0x0  }
0xa0: {  	[sflag:s22] =	ssyncadd.s32 s4;
	_ =	sdelay $0x1  }
0xa1: {  	s23 =	simm.s32 $0x1B8B  }
0xa2: {  	_ =	swait.ge [sflag:s23], $0x1  }
0xa3: {  	[sflag:s23] =	ssyncset.done $0x0  }
0xa4: {  	s25 =	simm.s32 $0x1B8E;
	s24 =	sld [smem:$0x3FFE];
	[sflag:s23] =	ssyncadd.s32 $0xFFFFFFFF  }
0xa5: {  	s26 =	simm.s32 $execute0_lowered;
	[smem:$0x3FD2] =	sst s25  }
0xa6: {  	s5 =	sshll.u32 s26, $0x1;
	_ =	strace $0x80000046;
	[dreg:$0x1] =	wrdreg $0xFFFFFFFF  }
0xa7: {  	s28 =	simm.s32 $_size_execute0_lowered;
	s3 =	sadd.s32 s3, s5;
	[dreg:$0x0] =	wrdreg $0x0  }
0xa8: {  	s5 =	sshll.u32 s28, $0x1;
	[dreg:$0x2] =	wrdreg s3  }
0xa9: {  	[dreg:$0x3] =	wrdreg s5  }
0xaa: {  	[dreg:$0x4] =	wrdreg $0xC0  }
0xab: {  	_ =	task [dreg:s7], $0x5FFFF  }
0xac: {  	[dreg:$0x1] =	wrdreg $0xFFFFFFFF  }
0xad: {  	[dreg:$0x0] =	wrdreg $0x60  }
0xae: {  	[dreg:$0x2] =	wrdreg s24  }
0xaf: {  	[dreg:$0x3] =	wrdreg s2  }
0xb0: {  	[dreg:$0x4] =	wrdreg $0x9  }
0xb1: {  	_ =	task.clear_ibuf [dreg:s7], $0x5FFFF;
	_ =	strace $0x90000046  }
0xb2: {  	s29 =	simm.s32 $0x9;
	_ =	strace $0x80000048  }
0xb3: {  	_ =	swait.ge [sflag:s29], $0x1  }
0xb4: {  	[sflag:s29] =	ssyncadd.s32 $0xFFFFFFFF  }
0xb5: {  	_ =	strace $0x90000048  }
0xb6: {  	_ =	sfence  }
0xb7: {  	s30 =	sld [smem:$0x0];
	_ =	sdelay $0x2  }
0xb8: {  	s31 =	sshll.u32 s1, $0xD;
	s1 =	sshrl.u32 s1, $0x2  }
0xb9: {  	s3 =	sand.u32 $0x4000, s31;
	s1 =	sadd.s32 s1, s30  }
0xba: {  	s0 =	sor.u32 s3, s0;
	s1 =	sshll.u32 s1, $0x11  }
0xbb: {  	s0 =	sor.u32 s1, s0  }
0xbc: {  	s0 =	sadd.s32 $0x8F2B, s0  }
0xbd: {  	[sflag:s0] =	ssyncadd.remote.s32 $0x1  }
0xbe: {  	_ =	sfence.sel $0xFFFF  }
0xbf: {  	[dreg:$0x0] =	wrdreg $0xFFFFFFFF;
	(pc) =	sbr.abs _section_cstart, $3  }
0xc0: {  	[dreg:$0x1] =	wrdreg $0xFFFFFFFF  }
0xc1: {  	_ =	task.clear_ibuf [dreg:s7], $0x2FFFF;
	_ =	strace $0x9FFFFFFF  }
0xc2: {  	(tm) =	ssettm $0x7FFFFFFF  }
0xc3: {  	_ =	shalt  }
tec
execute0_lowered:
.L_overlay_start_1:
0x0: {  	(tag) =	ssettag $0x1  }
0x1: {  	s1 =	stileid.u32  }
0x2: {  	p0 =	sgt.u32 s1, $0xB  }
.Ltmp0:
0x3: {  	_ = 	snop;
	(pc) =	sbr.rel @p0 .LBB2_7-.Ltmp0, $4  }
0x4: {  	s0 =	rddreg [dreg:$0x0]  }
0x5: {  	s3 =	rddreg [dreg:$0x1];
	s2 =	simm.s32 $0x0  }
0x6: {  	[smem:$0x7FF] =	sst s2  }
0x7: {  	s10 =	rddreg [dreg:$0x2];
	_ =	strace $0x80000047  }
0x8: {  	s4 =	srdreg.scid  }
0x9: {  	s5 =	sshll.u32 s1, $0x1;
	s8 =	sadd.s32 $0x1400, s0;
	s26 =	simm.s32 $0x1800  }
0xa: {  	s11 =	simm.s32 $0x300;
	s12 =	simm.s32 $0x6800;
	s13 =	simm.s32 $0x380  }
0xb: {  	s14 =	simm.s32 $0x7800;
	s15 =	simm.s32 $0x400;
	s16 =	simm.s32 $0x8800  }
0xc: {  	s17 =	simm.s32 $0x480;
	s18 =	simm.s32 $0x9800;
	s4 =	sand.u32 $0x1, s4  }
0xd: {  	s19 =	simm.s32 $0x500;
	s20 =	simm.s32 $0xA800;
	s5 =	sor.u32 s4, s5  }
0xe: {  	s21 =	simm.s32 $0x580;
	s22 =	simm.s32 $0xB800;
	s6 =	smul.u32 $0x56, s5  }
0xf: {  	s23 =	simm.s32 $0x600;
	s28 =	simm.s32 $0x700;
	s29 =	simm.s32 $0xE800  }
0x10: {  	p0 =	por $0x0, $0x0;
	s30 =	simm.s32 $0x780;
	s6 =	sshrl.u32 s6, $0x8  }
0x11: {  	[dreg:$0x5] =	wrdreg s26;
	s26 =	simm.s32 $0x200;
	s7 =	smul.u32 $0x3, s6  }
0x12: {  	s31 =	simm.s32 $0xF800;
	s1 =	ssub.s32 $0x2, s4;
	[dreg:$0xa] =	wrdreg s26  }
0x13: {  	s26 =	simm.s32 $0xD800;
	s7 =	ssub.s32 s5, s7;
	s5 =	sshll.u32 s5, $0xD  }
0x14: {  	s4 =	sshrl.u32 s1, $0x1;
	s6 =	sshll.u32 s6, $0xB;
	s3 =	sadd.s32 s3, s5  }
0x15: {  	s7 =	sand.u32 $0xFF, s7;
	s5 =	simm.s32 $0x100;
	[dreg:$0x3] =	wrdreg s3  }
0x16: {  	s7 =	sshll.u32 s7, $0x8;
	[dreg:$0x6] =	wrdreg s5;
	s3 =	ssub.s32 s1, s4  }
0x17: {  	s4 =	simm.s32 $0x800;
	s5 =	simm.s32 $0x1;
	s9 =	smax.u32 s3, $0x1  }
0x18: {  	s7 =	sadd.s32 s7, s8;
	s8 =	simm.s32 $0x180;
	p1 =	sne.s32 s9, $0x1  }
.Ltmp1:
0x19: {  	s3 =	simm.s32 $0x2;
	s24 =	sadd.s32 s6, s7;
	(pc) =	sbr.rel @!p1 .LBB2_6-.Ltmp1, $4  }
0x1a: {  	s6 =	sadd.s32 $0x5400, s0;
	s7 =	simm.s32 $0x2800;
	[dreg:$0x8] =	wrdreg s8  }
0x1b: {  	s0 =	sadd.s32 $0xFFFFFFFF, s9;
	s25 =	sadd.s32 $0x100, s24;
	[dreg:$0x7] =	wrdreg s7  }
0x1c: {  	s7 =	simm.s32 $0x80;
	[dreg:$0x4] =	wrdreg s25;
	s25 =	simm.s32 $0x3800  }
0x1d: {  	s24 =	simm.s32 $0xC800;
	[dreg:$0x9] =	wrdreg s25;
	s25 =	simm.s32 $0x680  }
0x1e: {  	s1 =	rddreg [dreg:$0x4]  }
0x1f: {  	[tilespmem:s2], [sflag:$0x2] =	stream.linear.gather [hbm4b:s1+s2], $0x800, $0x38;
	[tilespmem:$0x10800] =	vst v63  }
0x20: {  	_ =	swait.ge [sflag:s3], $0x800  }
0x21: {  	s10 =	rddreg [dreg:$0x6]  }
0x22: {  	s1 =	rddreg [dreg:$0x7]  }
0x23: {  	s8 =	rddreg [dreg:$0x9]  }
0x24: {  	[dreg:$0xb] =	wrdreg s10  }
0x25: {  	[sflag:s3] =	ssyncset.done $0x0;
	s10 =	smov.u32 s0;
	s0 =	rddreg [dreg:$0x5]  }
0x26: {  	[sflag:s3] =	ssyncadd.s32 $0xFFFFF800;
	[dreg:$0xc] =	wrdreg s8  }
0x27: {  	[tilespmem:s4], [sflag:$0x1] =	stream.indirect.gather [hbm4b:s6+s7], $0x20, s2, s7, $0xb8;
	[tilespmem:$0x10800] =	vst v63  }
0x28: {  	s8 =	rddreg [dreg:$0xb]  }
0x29: {  	[tilespmem:s0], [sflag:$0x1] =	stream.indirect.gather [hbm4b:s6+s7], $0x20, s7, s7, $0xb8;
	[tilespmem:$0x10800] =	vst v63  }
0x2a: {  	s0 =	rddreg [dreg:$0x8]  }
0x2b: {  	[tilespmem:s1], [sflag:$0x1] =	stream.indirect.gather [hbm4b:s6+s7], $0x20, s8, s7, $0xb8;
	[tilespmem:$0x10800] =	vst v63  }
0x2c: {  	s8 =	rddreg [dreg:$0xc]  }
0x2d: {  	[tilespmem:s8], [sflag:$0x1] =	stream.indirect.gather [hbm4b:s6+s7], $0x20, s0, s7, $0xb8;
	[tilespmem:$0x10800] =	vst v63  }
0x2e: {  	s9 =	simm.s32 $0x4800;
	s1 =	rddreg [dreg:$0xa]  }
0x2f: {  	[tilespmem:s9], [sflag:$0x1] =	stream.indirect.gather [hbm4b:s6+s7], $0x20, s1, s7, $0xb8;
	[tilespmem:$0x10800] =	vst v63  }
0x30: {  	s8 =	simm.s32 $0x280;
	s1 =	simm.s32 $0x5800  }
0x31: {  	[tilespmem:s1], [sflag:$0x1] =	stream.indirect.gather [hbm4b:s6+s7], $0x20, s8, s7, $0xb8;
	[tilespmem:$0x10800] =	vst v63  }
0x32: {  	_ = 	snop  }
0x33: {  	[tilespmem:s12], [sflag:$0x1] =	stream.indirect.gather [hbm4b:s6+s7], $0x20, s11, s7, $0xb8;
	[tilespmem:$0x10800] =	vst v63  }
0x34: {  	_ = 	snop  }
0x35: {  	[tilespmem:s14], [sflag:$0x1] =	stream.indirect.gather [hbm4b:s6+s7], $0x20, s13, s7, $0xb8;
	[tilespmem:$0x10800] =	vst v63  }
0x36: {  	_ = 	snop  }
0x37: {  	[tilespmem:s16], [sflag:$0x1] =	stream.indirect.gather [hbm4b:s6+s7], $0x20, s15, s7, $0xb8;
	[tilespmem:$0x10800] =	vst v63  }
0x38: {  	_ = 	snop  }
0x39: {  	[tilespmem:s18], [sflag:$0x1] =	stream.indirect.gather [hbm4b:s6+s7], $0x20, s17, s7, $0xb8;
	[tilespmem:$0x10800] =	vst v63  }
0x3a: {  	_ = 	snop  }
0x3b: {  	[tilespmem:s20], [sflag:$0x1] =	stream.indirect.gather [hbm4b:s6+s7], $0x20, s19, s7, $0xb8;
	[tilespmem:$0x10800] =	vst v63  }
0x3c: {  	_ = 	snop  }
0x3d: {  	[tilespmem:s22], [sflag:$0x1] =	stream.indirect.gather [hbm4b:s6+s7], $0x20, s21, s7, $0xb8;
	[tilespmem:$0x10800] =	vst v63  }
0x3e: {  	_ = 	snop  }
0x3f: {  	[tilespmem:s24], [sflag:$0x1] =	stream.indirect.gather [hbm4b:s6+s7], $0x20, s23, s7, $0xb8;
	[tilespmem:$0x10800] =	vst v63  }
0x40: {  	_ = 	snop  }
0x41: {  	[tilespmem:s26], [sflag:$0x1] =	stream.indirect.gather [hbm4b:s6+s7], $0x20, s25, s7, $0xb8;
	[tilespmem:$0x10800] =	vst v63  }
0x42: {  	_ = 	snop  }
0x43: {  	[tilespmem:s29], [sflag:$0x1] =	stream.indirect.gather [hbm4b:s6+s7], $0x20, s28, s7, $0xb8;
	[tilespmem:$0x10800] =	vst v63  }
0x44: {  	_ = 	snop  }
0x45: {  	[tilespmem:s31], [sflag:$0x1] =	stream.indirect.gather [hbm4b:s6+s7], $0x20, s30, s7, $0xb8;
	[tilespmem:$0x10800] =	vst v63  }
0x46: {  	_ =	swait.ge [sflag:s5], $0x1000  }
0x47: {  	[sflag:s5] =	ssyncset.done $0x0  }
0x48: {  	[sflag:s5] =	ssyncadd.s32 $0xFFFFF000  }
0x49: {  	_ =	swait.ge [sflag:s5], $0x1000  }
0x4a: {  	[sflag:s5] =	ssyncset.done $0x0  }
0x4b: {  	[sflag:s5] =	ssyncadd.s32 $0xFFFFF000  }
0x4c: {  	_ =	swait.ge [sflag:s5], $0x1000  }
0x4d: {  	[sflag:s5] =	ssyncset.done $0x0  }
0x4e: {  	[sflag:s5] =	ssyncadd.s32 $0xFFFFF000  }
0x4f: {  	_ =	swait.ge [sflag:s5], $0x1000  }
0x50: {  	[sflag:s5] =	ssyncset.done $0x0  }
0x51: {  	[sflag:s5] =	ssyncadd.s32 $0xFFFFF000  }
0x52: {  	_ =	swait.ge [sflag:s5], $0x1000  }
0x53: {  	[sflag:s5] =	ssyncset.done $0x0  }
0x54: {  	[sflag:s5] =	ssyncadd.s32 $0xFFFFF000  }
0x55: {  	_ =	swait.ge [sflag:s5], $0x1000  }
0x56: {  	[sflag:s5] =	ssyncset.done $0x0  }
0x57: {  	[sflag:s5] =	ssyncadd.s32 $0xFFFFF000  }
0x58: {  	_ =	swait.ge [sflag:s5], $0x1000  }
0x59: {  	[sflag:s5] =	ssyncset.done $0x0  }
0x5a: {  	[sflag:s5] =	ssyncadd.s32 $0xFFFFF000  }
0x5b: {  	_ =	swait.ge [sflag:s5], $0x1000  }
0x5c: {  	[sflag:s5] =	ssyncset.done $0x0  }
0x5d: {  	[sflag:s5] =	ssyncadd.s32 $0xFFFFF000  }
0x5e: {  	_ =	swait.ge [sflag:s5], $0x1000  }
0x5f: {  	[sflag:s5] =	ssyncset.done $0x0  }
0x60: {  	[sflag:s5] =	ssyncadd.s32 $0xFFFFF000  }
0x61: {  	_ =	swait.ge [sflag:s5], $0x1000  }
0x62: {  	[sflag:s5] =	ssyncset.done $0x0  }
0x63: {  	[sflag:s5] =	ssyncadd.s32 $0xFFFFF000  }
0x64: {  	_ =	swait.ge [sflag:s5], $0x1000  }
0x65: {  	[sflag:s5] =	ssyncset.done $0x0  }
0x66: {  	[sflag:s5] =	ssyncadd.s32 $0xFFFFF000  }
0x67: {  	_ =	swait.ge [sflag:s5], $0x1000  }
0x68: {  	[sflag:s5] =	ssyncset.done $0x0  }
0x69: {  	[sflag:s5] =	ssyncadd.s32 $0xFFFFF000  }
0x6a: {  	_ =	swait.ge [sflag:s5], $0x1000  }
0x6b: {  	[sflag:s5] =	ssyncset.done $0x0  }
0x6c: {  	[sflag:s5] =	ssyncadd.s32 $0xFFFFF000  }
0x6d: {  	_ =	swait.ge [sflag:s5], $0x1000  }
0x6e: {  	[sflag:s5] =	ssyncset.done $0x0  }
0x6f: {  	[sflag:s5] =	ssyncadd.s32 $0xFFFFF000  }
0x70: {  	_ =	swait.ge [sflag:s5], $0x1000  }
0x71: {  	p1 =	sne.s32 s10, $0x1;
	[sflag:s5] =	ssyncset.done $0x0  }
.Ltmp2:
0x72: {  	[sflag:s5] =	ssyncadd.s32 $0xFFFFF000;
	(pc) =	sbr.rel @!p1 .LBB2_3-.Ltmp2, $4  }
0x73: {  	_ =	swait.ge [sflag:s5], $0x1000  }
0x74: {  	p0 =	por $0x1, $0x1;
	[sflag:s5] =	ssyncset.done $0x0  }
0x75: {  	s0 =	sadd.s32 $0xFFFFFFFF, s10;
	s9 =	rddreg [dreg:$0x3];
	[sflag:s5] =	ssyncadd.s32 $0xFFFFF000  }
0x76: {  	[hbm4b:s9+s2] =	stream.linear.scatter [tilespmem:s4], [sflag:$0x2], $0x10000, $0x38;
	[tilespmem:$0x10800] =	vst v63  }
.LBB2_4:
0x77: {  	_ =	swait.ge [sflag:s3], $0x10000  }
0x78: {  	[sflag:s3] =	ssyncset.done $0x0  }
0x79: {  	s1 =	rddreg [dreg:$0x4];
	[sflag:s3] =	ssyncadd.s32 $0xFFFF0000  }
0x7a: {  	[tilespmem:s2], [sflag:$0x2] =	stream.linear.gather [hbm4b:s1+s2], $0x800, $0x38;
	[tilespmem:$0x10800] =	vst v63  }
0x7b: {  	_ =	swait.ge [sflag:s3], $0x800  }
0x7c: {  	s1 =	rddreg [dreg:$0x6];
	[sflag:s3] =	ssyncset.done $0x0  }
0x7d: {  	s8 =	rddreg [dreg:$0x5];
	[sflag:s3] =	ssyncadd.s32 $0xFFFFF800  }
0x7e: {  	[tilespmem:s4], [sflag:$0x1] =	stream.indirect.gather [hbm4b:s6+s7], $0x20, s2, s7, $0xb8;
	[tilespmem:$0x10800] =	vst v63  }
0x7f: {  	s9 =	rddreg [dreg:$0x7]  }
0x80: {  	[tilespmem:s8], [sflag:$0x1] =	stream.indirect.gather [hbm4b:s6+s7], $0x20, s7, s7, $0xb8;
	[tilespmem:$0x10800] =	vst v63  }
0x81: {  	s10 =	rddreg [dreg:$0x9]  }
0x82: {  	[tilespmem:s9], [sflag:$0x1] =	stream.indirect.gather [hbm4b:s6+s7], $0x20, s1, s7, $0xb8;
	[tilespmem:$0x10800] =	vst v63  }
0x83: {  	s8 =	rddreg [dreg:$0x8]  }
0x84: {  	[tilespmem:s10], [sflag:$0x1] =	stream.indirect.gather [hbm4b:s6+s7], $0x20, s8, s7, $0xb8;
	[tilespmem:$0x10800] =	vst v63  }
0x85: {  	s1 =	rddreg [dreg:$0xa];
	s10 =	simm.s32 $0x4800  }
0x86: {  	[tilespmem:s10], [sflag:$0x1] =	stream.indirect.gather [hbm4b:s6+s7], $0x20, s1, s7, $0xb8;
	[tilespmem:$0x10800] =	vst v63  }
0x87: {  	s9 =	simm.s32 $0x280;
	s8 =	simm.s32 $0x5800  }
0x88: {  	[tilespmem:s8], [sflag:$0x1] =	stream.indirect.gather [hbm4b:s6+s7], $0x20, s9, s7, $0xb8;
	[tilespmem:$0x10800] =	vst v63  }
0x89: {  	_ = 	snop  }
0x8a: {  	[tilespmem:s12], [sflag:$0x1] =	stream.indirect.gather [hbm4b:s6+s7], $0x20, s11, s7, $0xb8;
	[tilespmem:$0x10800] =	vst v63  }
0x8b: {  	_ = 	snop  }
0x8c: {  	[tilespmem:s14], [sflag:$0x1] =	stream.indirect.gather [hbm4b:s6+s7], $0x20, s13, s7, $0xb8;
	[tilespmem:$0x10800] =	vst v63  }
0x8d: {  	_ = 	snop  }
0x8e: {  	[tilespmem:s16], [sflag:$0x1] =	stream.indirect.gather [hbm4b:s6+s7], $0x20, s15, s7, $0xb8;
	[tilespmem:$0x10800] =	vst v63  }
0x8f: {  	_ = 	snop  }
0x90: {  	[tilespmem:s18], [sflag:$0x1] =	stream.indirect.gather [hbm4b:s6+s7], $0x20, s17, s7, $0xb8;
	[tilespmem:$0x10800] =	vst v63  }
0x91: {  	_ = 	snop  }
0x92: {  	[tilespmem:s20], [sflag:$0x1] =	stream.indirect.gather [hbm4b:s6+s7], $0x20, s19, s7, $0xb8;
	[tilespmem:$0x10800] =	vst v63  }
0x93: {  	_ = 	snop  }
0x94: {  	[tilespmem:s22], [sflag:$0x1] =	stream.indirect.gather [hbm4b:s6+s7], $0x20, s21, s7, $0xb8;
	[tilespmem:$0x10800] =	vst v63  }
0x95: {  	_ = 	snop  }
0x96: {  	[tilespmem:s24], [sflag:$0x1] =	stream.indirect.gather [hbm4b:s6+s7], $0x20, s23, s7, $0xb8;
	[tilespmem:$0x10800] =	vst v63  }
0x97: {  	_ = 	snop  }
0x98: {  	[tilespmem:s26], [sflag:$0x1] =	stream.indirect.gather [hbm4b:s6+s7], $0x20, s25, s7, $0xb8;
	[tilespmem:$0x10800] =	vst v63  }
0x99: {  	_ = 	snop  }
0x9a: {  	[tilespmem:s29], [sflag:$0x1] =	stream.indirect.gather [hbm4b:s6+s7], $0x20, s28, s7, $0xb8;
	[tilespmem:$0x10800] =	vst v63  }
0x9b: {  	_ = 	snop  }
0x9c: {  	[tilespmem:s31], [sflag:$0x1] =	stream.indirect.gather [hbm4b:s6+s7], $0x20, s30, s7, $0xb8;
	[tilespmem:$0x10800] =	vst v63  }
0x9d: {  	_ =	swait.ge [sflag:s5], $0x1000  }
0x9e: {  	[sflag:s5] =	ssyncset.done $0x0  }
0x9f: {  	[sflag:s5] =	ssyncadd.s32 $0xFFFFF000  }
0xa0: {  	_ =	swait.ge [sflag:s5], $0x1000  }
0xa1: {  	[sflag:s5] =	ssyncset.done $0x0  }
0xa2: {  	[sflag:s5] =	ssyncadd.s32 $0xFFFFF000  }
0xa3: {  	_ =	swait.ge [sflag:s5], $0x1000  }
0xa4: {  	[sflag:s5] =	ssyncset.done $0x0  }
0xa5: {  	[sflag:s5] =	ssyncadd.s32 $0xFFFFF000  }
0xa6: {  	_ =	swait.ge [sflag:s5], $0x1000  }
0xa7: {  	[sflag:s5] =	ssyncset.done $0x0  }
0xa8: {  	[sflag:s5] =	ssyncadd.s32 $0xFFFFF000  }
0xa9: {  	_ =	swait.ge [sflag:s5], $0x1000  }
0xaa: {  	[sflag:s5] =	ssyncset.done $0x0  }
0xab: {  	[sflag:s5] =	ssyncadd.s32 $0xFFFFF000  }
0xac: {  	_ =	swait.ge [sflag:s5], $0x1000  }
0xad: {  	[sflag:s5] =	ssyncset.done $0x0  }
0xae: {  	[sflag:s5] =	ssyncadd.s32 $0xFFFFF000  }
0xaf: {  	_ =	swait.ge [sflag:s5], $0x1000  }
0xb0: {  	[sflag:s5] =	ssyncset.done $0x0  }
0xb1: {  	[sflag:s5] =	ssyncadd.s32 $0xFFFFF000  }
0xb2: {  	_ =	swait.ge [sflag:s5], $0x1000  }
0xb3: {  	[sflag:s5] =	ssyncset.done $0x0  }
0xb4: {  	[sflag:s5] =	ssyncadd.s32 $0xFFFFF000  }
0xb5: {  	_ =	swait.ge [sflag:s5], $0x1000  }
0xb6: {  	[sflag:s5] =	ssyncset.done $0x0  }
0xb7: {  	[sflag:s5] =	ssyncadd.s32 $0xFFFFF000  }
0xb8: {  	_ =	swait.ge [sflag:s5], $0x1000  }
0xb9: {  	[sflag:s5] =	ssyncset.done $0x0  }
0xba: {  	[sflag:s5] =	ssyncadd.s32 $0xFFFFF000  }
0xbb: {  	_ =	swait.ge [sflag:s5], $0x1000  }
0xbc: {  	[sflag:s5] =	ssyncset.done $0x0  }
0xbd: {  	[sflag:s5] =	ssyncadd.s32 $0xFFFFF000  }
0xbe: {  	_ =	swait.ge [sflag:s5], $0x1000  }
0xbf: {  	[sflag:s5] =	ssyncset.done $0x0  }
0xc0: {  	[sflag:s5] =	ssyncadd.s32 $0xFFFFF000  }
0xc1: {  	_ =	swait.ge [sflag:s5], $0x1000  }
0xc2: {  	[sflag:s5] =	ssyncset.done $0x0  }
0xc3: {  	[sflag:s5] =	ssyncadd.s32 $0xFFFFF000  }
0xc4: {  	_ =	swait.ge [sflag:s5], $0x1000  }
0xc5: {  	[sflag:s5] =	ssyncset.done $0x0  }
0xc6: {  	[sflag:s5] =	ssyncadd.s32 $0xFFFFF000  }
0xc7: {  	_ =	swait.ge [sflag:s5], $0x1000  }
0xc8: {  	p1 =	sne.s32 s0, $0x1;
	[sflag:s5] =	ssyncset.done $0x0  }
.Ltmp3:
0xc9: {  	[sflag:s5] =	ssyncadd.s32 $0xFFFFF000;
	(pc) =	sbr.rel @p1 .LBB2_4-.Ltmp3, $4  }
0xca: {  	_ =	swait.ge [sflag:s5], $0x1000  }
0xcb: {  	[sflag:s5] =	ssyncset.done $0x0  }
0xcc: {  	s0 =	sadd.s32 $0xFFFFFFFF, s0;
	s10 =	rddreg [dreg:$0x3];
	[sflag:s5] =	ssyncadd.s32 $0xFFFFF000  }
0xcd: {  	[hbm4b:s10+s2] =	stream.linear.scatter [tilespmem:s4], [sflag:$0x2], $0x10000, $0x38;
	[tilespmem:$0x10800] =	vst v63  }
0xce: {  	s10 =	rddreg [dreg:$0x2]  }
.LBB2_6:
0xcf: {  	_ =	swait.ge @p0 [sflag:s3], $0x10000  }
0xd0: {  	[sflag:s3] =	ssyncset.done @p0 $0x0  }
0xd1: {  	s0 =	rddreg [dreg:$0x4];
	[sflag:s3] =	ssyncadd.s32 @p0 $0xFFFF0000  }
0xd2: {  	[tilespmem:s2], [sflag:$0x2] =	stream.linear.gather [hbm4b:s0+s2], $0x800, $0x38;
	[tilespmem:$0x10800] =	vst v63  }
0xd3: {  	_ =	swait.ge [sflag:s3], $0x800  }
0xd4: {  	[sflag:s3] =	ssyncset.done $0x0;
	s9 =	rddreg [dreg:$0x5]  }
0xd5: {  	s0 =	rddreg [dreg:$0x6];
	[sflag:s3] =	ssyncadd.s32 $0xFFFFF800  }
0xd6: {  	[tilespmem:s4], [sflag:$0x1] =	stream.indirect.gather [hbm4b:s6+s7], $0x20, s2, s7, $0xb8;
	[tilespmem:$0x10800] =	vst v63  }
0xd7: {  	s1 =	rddreg [dreg:$0x7]  }
0xd8: {  	[tilespmem:s9], [sflag:$0x1] =	stream.indirect.gather [hbm4b:s6+s7], $0x20, s7, s7, $0xb8;
	[tilespmem:$0x10800] =	vst v63  }
0xd9: {  	s8 =	rddreg [dreg:$0x9]  }
0xda: {  	[tilespmem:s1], [sflag:$0x1] =	stream.indirect.gather [hbm4b:s6+s7], $0x20, s0, s7, $0xb8;
	[tilespmem:$0x10800] =	vst v63  }
0xdb: {  	s9 =	rddreg [dreg:$0x8]  }
0xdc: {  	[tilespmem:s8], [sflag:$0x1] =	stream.indirect.gather [hbm4b:s6+s7], $0x20, s9, s7, $0xb8;
	[tilespmem:$0x10800] =	vst v63  }
0xdd: {  	s1 =	rddreg [dreg:$0xa];
	s9 =	simm.s32 $0x4800  }
0xde: {  	[tilespmem:s9], [sflag:$0x1] =	stream.indirect.gather [hbm4b:s6+s7], $0x20, s1, s7, $0xb8;
	[tilespmem:$0x10800] =	vst v63  }
0xdf: {  	s8 =	simm.s32 $0x5800;
	s9 =	simm.s32 $0x280  }
0xe0: {  	[tilespmem:s8], [sflag:$0x1] =	stream.indirect.gather [hbm4b:s6+s7], $0x20, s9, s7, $0xb8;
	[tilespmem:$0x10800] =	vst v63  }
0xe1: {  	_ = 	snop  }
0xe2: {  	[tilespmem:s12], [sflag:$0x1] =	stream.indirect.gather [hbm4b:s6+s7], $0x20, s11, s7, $0xb8;
	[tilespmem:$0x10800] =	vst v63  }
0xe3: {  	_ = 	snop  }
0xe4: {  	[tilespmem:s14], [sflag:$0x1] =	stream.indirect.gather [hbm4b:s6+s7], $0x20, s13, s7, $0xb8;
	[tilespmem:$0x10800] =	vst v63  }
0xe5: {  	_ = 	snop  }
0xe6: {  	[tilespmem:s16], [sflag:$0x1] =	stream.indirect.gather [hbm4b:s6+s7], $0x20, s15, s7, $0xb8;
	[tilespmem:$0x10800] =	vst v63  }
0xe7: {  	_ = 	snop  }
0xe8: {  	[tilespmem:s18], [sflag:$0x1] =	stream.indirect.gather [hbm4b:s6+s7], $0x20, s17, s7, $0xb8;
	[tilespmem:$0x10800] =	vst v63  }
0xe9: {  	_ = 	snop  }
0xea: {  	[tilespmem:s20], [sflag:$0x1] =	stream.indirect.gather [hbm4b:s6+s7], $0x20, s19, s7, $0xb8;
	[tilespmem:$0x10800] =	vst v63  }
0xeb: {  	_ = 	snop  }
0xec: {  	[tilespmem:s22], [sflag:$0x1] =	stream.indirect.gather [hbm4b:s6+s7], $0x20, s21, s7, $0xb8;
	[tilespmem:$0x10800] =	vst v63  }
0xed: {  	_ = 	snop  }
0xee: {  	[tilespmem:s24], [sflag:$0x1] =	stream.indirect.gather [hbm4b:s6+s7], $0x20, s23, s7, $0xb8;
	[tilespmem:$0x10800] =	vst v63  }
0xef: {  	_ = 	snop  }
0xf0: {  	[tilespmem:s26], [sflag:$0x1] =	stream.indirect.gather [hbm4b:s6+s7], $0x20, s25, s7, $0xb8;
	[tilespmem:$0x10800] =	vst v63  }
0xf1: {  	_ = 	snop  }
0xf2: {  	[tilespmem:s29], [sflag:$0x1] =	stream.indirect.gather [hbm4b:s6+s7], $0x20, s28, s7, $0xb8;
	[tilespmem:$0x10800] =	vst v63  }
0xf3: {  	_ = 	snop  }
0xf4: {  	[tilespmem:s31], [sflag:$0x1] =	stream.indirect.gather [hbm4b:s6+s7], $0x20, s30, s7, $0xb8;
	[tilespmem:$0x10800] =	vst v63  }
0xf5: {  	_ =	swait.ge [sflag:s5], $0x1000  }
0xf6: {  	[sflag:s5] =	ssyncset.done $0x0  }
0xf7: {  	[sflag:s5] =	ssyncadd.s32 $0xFFFFF000  }
0xf8: {  	_ =	swait.ge [sflag:s5], $0x1000  }
0xf9: {  	[sflag:s5] =	ssyncset.done $0x0  }
0xfa: {  	[sflag:s5] =	ssyncadd.s32 $0xFFFFF000  }
0xfb: {  	_ =	swait.ge [sflag:s5], $0x1000  }
0xfc: {  	[sflag:s5] =	ssyncset.done $0x0  }
0xfd: {  	[sflag:s5] =	ssyncadd.s32 $0xFFFFF000  }
0xfe: {  	_ =	swait.ge [sflag:s5], $0x1000  }
0xff: {  	[sflag:s5] =	ssyncset.done $0x0  }
0x100: {  	[sflag:s5] =	ssyncadd.s32 $0xFFFFF000  }
0x101: {  	_ =	swait.ge [sflag:s5], $0x1000  }
0x102: {  	[sflag:s5] =	ssyncset.done $0x0  }
0x103: {  	[sflag:s5] =	ssyncadd.s32 $0xFFFFF000  }
0x104: {  	_ =	swait.ge [sflag:s5], $0x1000  }
0x105: {  	[sflag:s5] =	ssyncset.done $0x0  }
0x106: {  	[sflag:s5] =	ssyncadd.s32 $0xFFFFF000  }
0x107: {  	_ =	swait.ge [sflag:s5], $0x1000  }
0x108: {  	[sflag:s5] =	ssyncset.done $0x0  }
0x109: {  	[sflag:s5] =	ssyncadd.s32 $0xFFFFF000  }
0x10a: {  	_ =	swait.ge [sflag:s5], $0x1000  }
0x10b: {  	[sflag:s5] =	ssyncset.done $0x0  }
0x10c: {  	[sflag:s5] =	ssyncadd.s32 $0xFFFFF000  }
0x10d: {  	_ =	swait.ge [sflag:s5], $0x1000  }
0x10e: {  	[sflag:s5] =	ssyncset.done $0x0  }
0x10f: {  	[sflag:s5] =	ssyncadd.s32 $0xFFFFF000  }
0x110: {  	_ =	swait.ge [sflag:s5], $0x1000  }
0x111: {  	[sflag:s5] =	ssyncset.done $0x0  }
0x112: {  	[sflag:s5] =	ssyncadd.s32 $0xFFFFF000  }
0x113: {  	_ =	swait.ge [sflag:s5], $0x1000  }
0x114: {  	[sflag:s5] =	ssyncset.done $0x0  }
0x115: {  	[sflag:s5] =	ssyncadd.s32 $0xFFFFF000  }
0x116: {  	_ =	swait.ge [sflag:s5], $0x1000  }
0x117: {  	[sflag:s5] =	ssyncset.done $0x0  }
0x118: {  	[sflag:s5] =	ssyncadd.s32 $0xFFFFF000  }
0x119: {  	_ =	swait.ge [sflag:s5], $0x1000  }
0x11a: {  	[sflag:s5] =	ssyncset.done $0x0  }
0x11b: {  	[sflag:s5] =	ssyncadd.s32 $0xFFFFF000  }
0x11c: {  	_ =	swait.ge [sflag:s5], $0x1000  }
0x11d: {  	[sflag:s5] =	ssyncset.done $0x0  }
0x11e: {  	[sflag:s5] =	ssyncadd.s32 $0xFFFFF000  }
0x11f: {  	_ =	swait.ge [sflag:s5], $0x1000  }
0x120: {  	[sflag:s5] =	ssyncset.done $0x0  }
0x121: {  	[sflag:s5] =	ssyncadd.s32 $0xFFFFF000  }
0x122: {  	_ =	swait.ge [sflag:s5], $0x1000  }
0x123: {  	[sflag:s5] =	ssyncset.done $0x0  }
0x124: {  	s31 =	rddreg [dreg:$0x3];
	[sflag:s5] =	ssyncadd.s32 $0xFFFFF000  }
0x125: {  	[hbm4b:s31+s2] =	stream.linear.scatter [tilespmem:s4], [sflag:$0x2], $0x10000, $0x38;
	[tilespmem:$0x10800] =	vst v63  }
0x126: {  	_ =	swait.ge [sflag:s3], $0x10000  }
0x127: {  	[sflag:s3] =	ssyncset.done $0x0  }
0x128: {  	s1 =	stileid.u32;
	[sflag:s3] =	ssyncadd.s32 $0xFFFF0000  }
.LBB2_7:
0x129: {  	_ =	sfence.sel $0x180000  }
0x12a: {  	[bflag:$0x0] =	sbarrier.arrive $0xFFFF  }
0x12b: {  	p0 =	sne.s32 s1, $0x0;
	_ =	strace $0x90000047  }
0x12c: {  	s0 =	sadd.s32 @!p0 $0x100000, s10;
	[bflag:$0x2] =	sbarrier.arrive $0xFFFF  }
0x12d: {  	[sflag:s0] =	ssyncadd.tile.s32 @!p0 $0x1;
	_ =	shalt  }
.LBB2_3:
.Ltmp4:
0x12e: {  	(pc) =	sbr.rel .LBB2_6-.Ltmp4, $2  }
0x12f: {  	_ =	sdelay $0x2  }
0x130: {  	s10 =	rddreg [dreg:$0x2]  }
.Lfunc_end2:
_tile_overlayer_lowered:
.L_overlay_start_2:
0x131: {  	(tag) =	ssettag $0x2  }
0x132: {  	s0 =	rddreg [dreg:$0x0];
	s2 =	stileid.u32  }
0x133: {  	s1 =	rddreg [dreg:$0x1];
	p0 =	sne.s32 s2, $0x0  }
0x134: {  	s3 =	rddreg [dreg:$0x2];
	[bflag:$0x3] =	sbarrier.arrive $0xFFFF;
	s2 =	simm.s32 @!p0 $0x1C02  }
0x135: {  	[timem:s3], [sflag:s2] =	dma.local @!p0 [hbm:s0], s1  }
0x136: {  	s0 =	simm.s32 @!p0 $0x2  }
0x137: {  	_ =	swait.ge @!p0 [sflag:s0], s1  }
0x138: {  	s1 =	ssub.s32 @!p0 $0x0, s1;
	[sflag:s0] =	ssyncset.done @!p0 $0x0  }
0x139: {  	[sflag:s0] =	ssyncadd.s32 @!p0 s1  }
0x13a: {  	[bflag:$0x3] =	sbarrier.arrive $0xFFFF  }
0x13b: {  	_ =	shalt  }

</sc_bundles>
